<compile_context>
chip_gen: v7x
topology: tpu7x:2x2x1
jax: 0.10.2.dev20260603
libtpu: 0.0.44.dev20260713+nightly
codegen_flags: <defaults>
</compile_context>

<pallas_src>
import functools

import jax
import jax.numpy as jnp
from jax import lax
from jax.experimental import pallas as pl

_N = 5000
_K = 300
_SIGMA = 0.5
_BLK = 512
_NPAD = 5120
_NBLK = _NPAD // _BLK
_NEG = -1e30


def _row_slices(refs, i):
    return [r[pl.ds(i * _BLK, _BLK), :] for r in refs]


def _col_slices(refs, j):
    return [r[:, pl.ds(j * _BLK, _BLK)] for r in refs]


def _iou_tile(rows, cols):
    rx1, ry1, rx2, ry2, ra = rows
    cx1, cy1, cx2, cy2, ca = cols
    iw = jnp.maximum(jnp.minimum(rx2, cx2) - jnp.maximum(rx1, cx1), 0.0)
    ih = jnp.maximum(jnp.minimum(ry2, cy2) - jnp.maximum(ry1, cy1), 0.0)
    inter = iw * ih
    union = (ra + ca) - inter
    return inter / union


def _diag_mask(s_r, s_c):
    ridx = lax.broadcasted_iota(jnp.int32, (_BLK, _BLK), 0)
    cidx = lax.broadcasted_iota(jnp.int32, (_BLK, _BLK), 1)
    return (s_c > s_r) | ((s_c == s_r) & (cidx < ridx))


def _comp_body(x1r, y1r, x2r, y2r, ar, x1c, y1c, x2c, y2c, ac, sr, sc,
               comp_r_ref, comp_c_ref):
    rrefs = (x1r, y1r, x2r, y2r, ar)
    crefs = (x1c, y1c, x2c, y2c, ac)
    comp_c_ref[...] = jnp.zeros((1, _NPAD), jnp.float32)

    def outer(i, _):
        rows = _row_slices(rrefs, i)
        s_r = sr[pl.ds(i * _BLK, _BLK), :]

        def inner(j, acc):
            cols = _col_slices(crefs, j)
            s_c = sc[:, pl.ds(j * _BLK, _BLK)]
            iou = _iou_tile(rows, cols)
            m = s_c >= s_r
            acc = jnp.maximum(acc, jnp.max(jnp.where(m, iou, 0.0), axis=1,
                                           keepdims=True))
            cmax = jnp.max(jnp.where(m, 0.0, iou), axis=0, keepdims=True)
            sl = (slice(0, 1), pl.ds(j * _BLK, _BLK))
            comp_c_ref[sl] = jnp.maximum(comp_c_ref[sl], cmax)
            return acc

        acc = lax.fori_loop(0, i, inner, jnp.zeros((_BLK, 1), jnp.float32))
        cols = _col_slices(crefs, i)
        s_c = sc[:, pl.ds(i * _BLK, _BLK)]
        iou = _iou_tile(rows, cols)
        m = _diag_mask(s_r, s_c)
        acc = jnp.maximum(acc, jnp.max(jnp.where(m, iou, 0.0), axis=1,
                                       keepdims=True))
        comp_r_ref[pl.ds(i * _BLK, _BLK), :] = acc
        return 0

    lax.fori_loop(0, _NBLK, outer, 0)


def _decay_body(x1r, y1r, x2r, y2r, ar, x1c, y1c, x2c, y2c, ac, sr, sc,
                c2r, c2c, q_r_ref, q_c_ref):
    rrefs = (x1r, y1r, x2r, y2r, ar)
    crefs = (x1c, y1c, x2c, y2c, ac)
    q_c_ref[...] = jnp.full((1, _NPAD), _NEG, jnp.float32)

    def outer(i, _):
        rows = _row_slices(rrefs, i)
        s_r = sr[pl.ds(i * _BLK, _BLK), :]
        comp2_r = c2r[pl.ds(i * _BLK, _BLK), :]

        def inner(j, acc):
            cols = _col_slices(crefs, j)
            s_c = sc[:, pl.ds(j * _BLK, _BLK)]
            comp2_c = c2c[:, pl.ds(j * _BLK, _BLK)]
            iou = _iou_tile(rows, cols)
            iou2 = iou * iou
            m = s_c >= s_r
            acc = jnp.maximum(
                acc,
                jnp.max(jnp.where(m, iou2 - comp2_c, _NEG), axis=1,
                        keepdims=True))
            cmax = jnp.max(jnp.where(m, _NEG, iou2 - comp2_r), axis=0,
                           keepdims=True)
            sl = (slice(0, 1), pl.ds(j * _BLK, _BLK))
            q_c_ref[sl] = jnp.maximum(q_c_ref[sl], cmax)
            return acc

        acc = lax.fori_loop(0, i, inner, jnp.full((_BLK, 1), _NEG,
                                                  jnp.float32))
        cols = _col_slices(crefs, i)
        s_c = sc[:, pl.ds(i * _BLK, _BLK)]
        comp2_c = c2c[:, pl.ds(i * _BLK, _BLK)]
        iou = _iou_tile(rows, cols)
        iou2 = iou * iou
        m = _diag_mask(s_r, s_c)
        acc = jnp.maximum(
            acc,
            jnp.max(jnp.where(m, iou2 - comp2_c, _NEG), axis=1,
                    keepdims=True))
        q_r_ref[pl.ds(i * _BLK, _BLK), :] = acc
        return 0

    lax.fori_loop(0, _NBLK, outer, 0)


def _rescore_body(q_r, q_ct, sr, out_ref):
    ridx = lax.broadcasted_iota(jnp.int32, (_NPAD, 1), 0)
    q = jnp.maximum(jnp.maximum(q_r[...], q_ct[...]), 0.0)
    new_s = sr[...] * jnp.exp(-q / _SIGMA)
    out_ref[...] = jnp.where(ridx < _N, new_s, _NEG)


@jax.jit
def kernel(boxes, scores):
    order = jnp.argsort(-scores)
    boxes = jnp.take(boxes, order, axis=0)
    scores = jnp.take(scores, order, axis=0)
    pad = _NPAD - _N
    b = jnp.pad(boxes, ((0, pad), (0, 0)))
    s = jnp.pad(scores, (0, pad), constant_values=-1.0)

    x1 = jnp.minimum(b[:, 0], b[:, 2])
    y1 = jnp.minimum(b[:, 1], b[:, 3])
    x2 = jnp.maximum(b[:, 0], b[:, 2])
    y2 = jnp.maximum(b[:, 1], b[:, 3])
    area = (x2 - x1) * (y2 - y1) + 1e-8

    rowv = lambda v: v[:, None]
    colv = lambda v: v[None, :]
    row_args = [rowv(x1), rowv(y1), rowv(x2), rowv(y2), rowv(area)]
    col_args = [colv(x1), colv(y1), colv(x2), colv(y2), colv(area)]
    s_row, s_col = rowv(s), colv(s)

    f32 = jnp.float32
    comp_r, comp_c = pl.pallas_call(
        _comp_body,
        out_shape=(jax.ShapeDtypeStruct((_NPAD, 1), f32),
                   jax.ShapeDtypeStruct((1, _NPAD), f32)),
    )(*row_args, *col_args, s_row, s_col)

    comp = jnp.maximum(comp_r[:, 0], comp_c[0, :])
    comp2 = comp * comp
    q_r, q_c = pl.pallas_call(
        _decay_body,
        out_shape=(jax.ShapeDtypeStruct((_NPAD, 1), f32),
                   jax.ShapeDtypeStruct((1, _NPAD), f32)),
    )(*row_args, *col_args, s_row, s_col, rowv(comp2), colv(comp2))

    new_s = pl.pallas_call(
        _rescore_body,
        out_shape=jax.ShapeDtypeStruct((_NPAD, 1), f32),
    )(q_r, q_c.T, s_row)

    vals, idx = lax.top_k(new_s[:, 0], _K)
    sel = jnp.take(boxes, idx, axis=0)
    return jnp.concatenate([sel, vals[:, None]], axis=1)

# --- scband reference (transcript-rebuilt; emitter-appended) ---
"""Pipeline reference for scband-model-rpn-34823594836212 (READ-ONLY COPY).

The authoritative reference and input builder live on the scoring server;
editing this copy changes nothing except your own understanding.
"""

import jax, jax.numpy as jnp
import numpy as np

N = 5000
K = 300
SIGMA = 0.5


def setup_inputs(seed: int = 0) -> dict:
    key = jax.random.key(seed)
    k1, k2 = jax.random.split(key)
    boxes = jax.random.uniform(k1, (N, 4), dtype=jnp.float32) * 512.0
    scores = jax.random.uniform(k2, (N,), dtype=jnp.float32)
    return {"boxes": boxes, "scores": scores}


def _pairwise_iou(b):
    # normalize arbitrary corner ordering to (x1,y1,x2,y2)
    x1 = jnp.minimum(b[:, 0], b[:, 2])
    y1 = jnp.minimum(b[:, 1], b[:, 3])
    x2 = jnp.maximum(b[:, 0], b[:, 2])
    y2 = jnp.maximum(b[:, 1], b[:, 3])
    area = (x2 - x1) * (y2 - y1)
    ix1 = jnp.maximum(x1[:, None], x1[None, :])
    iy1 = jnp.maximum(y1[:, None], y1[None, :])
    ix2 = jnp.minimum(x2[:, None], x2[None, :])
    iy2 = jnp.minimum(y2[:, None], y2[None, :])
    iw = jnp.clip(ix2 - ix1, 0.0)
    ih = jnp.clip(iy2 - iy1, 0.0)
    inter = iw * ih
    union = area[:, None] + area[None, :] - inter
    return inter / (union + 1e-8)


def reference(boxes, scores):
    # RPN proposal suppression: sort by objectness score, compute pairwise IoU,
    # apply (matrix-style gaussian) NMS decay, keep top-K survivors.
    order = jnp.argsort(-scores)
    b = jnp.take(boxes, order, axis=0)
    s = jnp.take(scores, order, axis=0)
    iou = _pairwise_iou(b)
    n = s.shape[0]
    tri = jnp.tril(jnp.ones((n, n), dtype=bool), k=-1)  # entry (i,j): j scored higher than i
    iou_hi = jnp.where(tri, iou, 0.0)
    # compensation: max IoU of each higher-scored box j with boxes above it
    comp = jnp.max(iou_hi, axis=1)
    decay_mat = jnp.exp(-(iou_hi ** 2 - comp[None, :] ** 2) / SIGMA)
    decay_mat = jnp.where(tri, decay_mat, 1.0)
    decay = jnp.min(decay_mat, axis=1)
    new_s = s * decay
    vals, idx = jax.lax.top_k(new_s, K)
    sel = jnp.take(b, idx, axis=0)
    return jnp.concatenate([sel, vals[:, None]], axis=1)  # [K, 5] = (x1,y1,x2,y2,score)

if __name__ == "__main__":
    import jax
    _d = setup_inputs()
    print(jax.jit(kernel)(*tuple(_d.values())))

</pallas_src>

<mosaic_0001>
module attributes {stable_mosaic.version = 14 : i64} {
  func.func @_comp_body(%arg0: memref<5120x1xf32, #tpu.memory_space<vmem>>, %arg1: memref<5120x1xf32, #tpu.memory_space<vmem>>, %arg2: memref<5120x1xf32, #tpu.memory_space<vmem>>, %arg3: memref<5120x1xf32, #tpu.memory_space<vmem>>, %arg4: memref<5120x1xf32, #tpu.memory_space<vmem>>, %arg5: memref<1x5120xf32, #tpu.memory_space<vmem>>, %arg6: memref<1x5120xf32, #tpu.memory_space<vmem>>, %arg7: memref<1x5120xf32, #tpu.memory_space<vmem>>, %arg8: memref<1x5120xf32, #tpu.memory_space<vmem>>, %arg9: memref<1x5120xf32, #tpu.memory_space<vmem>>, %arg10: memref<5120x1xf32, #tpu.memory_space<vmem>>, %arg11: memref<1x5120xf32, #tpu.memory_space<vmem>>, %arg12: memref<5120x1xf32, #tpu.memory_space<vmem>>, %arg13: memref<1x5120xf32, #tpu.memory_space<vmem>>) attributes {dimension_semantics = [], scalar_prefetch = 0 : i64, scratch_operands = 0 : i64, tpu.core_type = #tpu.core_type<tc>} {
    %broadcast_in_dim3A = arith.constant 0.000000e+00 : f32
    %broadcast_in_dim3A_0 = vector.broadcast %broadcast_in_dim3A : f32 to vector<1x5120xf32>
    %swap3A = arith.constant 0 : index
    %swap3A_1 = arith.constant 0 : index
    %swap3A_2 = vector.load %arg13[%swap3A, %swap3A_1] : memref<1x5120xf32, #tpu.memory_space<vmem>>, vector<1x5120xf32>
    tpu.vector_store %arg13[%swap3A, %swap3A_1], %broadcast_in_dim3A_0 {strides = array<i32>} : memref<1x5120xf32, #tpu.memory_space<vmem>>, vector<1x5120xf32>,
    %scan3A = arith.constant 0 : i32
    %scan3A_3 = arith.constant 10 : i32
    %scan3A_4 = arith.addi %scan3A, %scan3A_3 : i32
    %scan3A_5 = arith.constant 1 : i32
    scf.for %scan3A_7 = %scan3A to %scan3A_4 step %scan3A_5  : i32 {
      %mul3A = arith.constant 512 : i32
      %mul3A_8 = arith.muli %scan3A_7, %mul3A : i32
      %get3A = arith.index_cast %mul3A_8 : i32 to index
      %get3A_9 = arith.constant 0 : index
      %get3A_10 = vector.load %arg0[%get3A, %get3A_9] : memref<5120x1xf32, #tpu.memory_space<vmem>>, vector<512x1xf32>
      %mul3A_11 = arith.constant 512 : i32
      %mul3A_12 = arith.muli %scan3A_7, %mul3A_11 : i32
      %get3A_13 = arith.index_cast %mul3A_12 : i32 to index
      %get3A_14 = arith.constant 0 : index
      %get3A_15 = vector.load %arg1[%get3A_13, %get3A_14] : memref<5120x1xf32, #tpu.memory_space<vmem>>, vector<512x1xf32>
      %mul3A_16 = arith.constant 512 : i32
      %mul3A_17 = arith.muli %scan3A_7, %mul3A_16 : i32
      %get3A_18 = arith.index_cast %mul3A_17 : i32 to index
      %get3A_19 = arith.constant 0 : index
      %get3A_20 = vector.load %arg2[%get3A_18, %get3A_19] : memref<5120x1xf32, #tpu.memory_space<vmem>>, vector<512x1xf32>
      %mul3A_21 = arith.constant 512 : i32
      %mul3A_22 = arith.muli %scan3A_7, %mul3A_21 : i32
      %get3A_23 = arith.index_cast %mul3A_22 : i32 to index
      %get3A_24 = arith.constant 0 : index
      %get3A_25 = vector.load %arg3[%get3A_23, %get3A_24] : memref<5120x1xf32, #tpu.memory_space<vmem>>, vector<512x1xf32>
      %mul3A_26 = arith.constant 512 : i32
      %mul3A_27 = arith.muli %scan3A_7, %mul3A_26 : i32
      %get3A_28 = arith.index_cast %mul3A_27 : i32 to index
      %get3A_29 = arith.constant 0 : index
      %get3A_30 = vector.load %arg4[%get3A_28, %get3A_29] : memref<5120x1xf32, #tpu.memory_space<vmem>>, vector<512x1xf32>
      %mul3A_31 = arith.constant 512 : i32
      %mul3A_32 = arith.muli %scan3A_7, %mul3A_31 : i32
      %get3A_33 = arith.index_cast %mul3A_32 : i32 to index
      %get3A_34 = arith.constant 0 : index
      %get3A_35 = vector.load %arg10[%get3A_33, %get3A_34] : memref<5120x1xf32, #tpu.memory_space<vmem>>, vector<512x1xf32>
      %broadcast_in_dim3A_36 = arith.constant 0.000000e+00 : f32
      %broadcast_in_dim3A_37 = vector.broadcast %broadcast_in_dim3A_36 : f32 to vector<512x1xf32>
      %while3A = arith.constant 0 : i32
      %while3A_38 = arith.subi %scan3A_7, %while3A : i32
      %while3A_39 = arith.addi %while3A, %while3A_38 : i32
      %while3A_40 = arith.constant 1 : i32
      %while3A_41 = arith.divsi %while3A_38, %while3A_40 : i32
      %while3A_42 = arith.muli %while3A_41, %while3A_40 : i32
      %while3A_43 = arith.addi %while3A, %while3A_42 : i32
      %while3A_44 = arith.constant 1 : i32
      %while3A_45 = scf.for %while3A_113 = %while3A to %while3A_43 step %while3A_44 iter_args(%while3A_114 = %broadcast_in_dim3A_37) -> (vector<512x1xf32>)  : i32 {
        %mul3A_115 = arith.constant 512 : i32
        %mul3A_116 = arith.muli %while3A_113, %mul3A_115 : i32
        %get3A_117 = arith.constant 0 : index
        %get3A_118 = arith.index_cast %mul3A_116 : i32 to index
        %get3A_119 = vector.load %arg5[%get3A_117, %get3A_118] : memref<1x5120xf32, #tpu.memory_space<vmem>>, vector<1x512xf32>
        %mul3A_120 = arith.constant 512 : i32
        %mul3A_121 = arith.muli %while3A_113, %mul3A_120 : i32
        %get3A_122 = arith.constant 0 : index
        %get3A_123 = arith.index_cast %mul3A_121 : i32 to index
        %get3A_124 = vector.load %arg6[%get3A_122, %get3A_123] : memref<1x5120xf32, #tpu.memory_space<vmem>>, vector<1x512xf32>
        %mul3A_125 = arith.constant 512 : i32
        %mul3A_126 = arith.muli %while3A_113, %mul3A_125 : i32
        %get3A_127 = arith.constant 0 : index
        %get3A_128 = arith.index_cast %mul3A_126 : i32 to index
        %get3A_129 = vector.load %arg7[%get3A_127, %get3A_128] : memref<1x5120xf32, #tpu.memory_space<vmem>>, vector<1x512xf32>
        %mul3A_130 = arith.constant 512 : i32
        %mul3A_131 = arith.muli %while3A_113, %mul3A_130 : i32
        %get3A_132 = arith.constant 0 : index
        %get3A_133 = arith.index_cast %mul3A_131 : i32 to index
        %get3A_134 = vector.load %arg8[%get3A_132, %get3A_133] : memref<1x5120xf32, #tpu.memory_space<vmem>>, vector<1x512xf32>
        %mul3A_135 = arith.constant 512 : i32
        %mul3A_136 = arith.muli %while3A_113, %mul3A_135 : i32
        %get3A_137 = arith.constant 0 : index
        %get3A_138 = arith.index_cast %mul3A_136 : i32 to index
        %get3A_139 = vector.load %arg9[%get3A_137, %get3A_138] : memref<1x5120xf32, #tpu.memory_space<vmem>>, vector<1x512xf32>
        %mul3A_140 = arith.constant 512 : i32
        %mul3A_141 = arith.muli %while3A_113, %mul3A_140 : i32
        %get3A_142 = arith.constant 0 : index
        %get3A_143 = arith.index_cast %mul3A_141 : i32 to index
        %get3A_144 = vector.load %arg11[%get3A_142, %get3A_143] : memref<1x5120xf32, #tpu.memory_space<vmem>>, vector<1x512xf32>
        %min3A_145 = vector.broadcast %get3A_20 : vector<512x1xf32> to vector<512x512xf32>
        %min3A_146 = vector.broadcast %get3A_129 : vector<1x512xf32> to vector<512x512xf32>
        %min3A_147 = arith.minimumf %min3A_145, %min3A_146 : vector<512x512xf32>
        %max3A_148 = vector.broadcast %get3A_10 : vector<512x1xf32> to vector<512x512xf32>
        %max3A_149 = vector.broadcast %get3A_119 : vector<1x512xf32> to vector<512x512xf32>
        %max3A_150 = arith.maximumf %max3A_148, %max3A_149 : vector<512x512xf32>
        %sub3A_151 = arith.subf %min3A_147, %max3A_150 : vector<512x512xf32>
        %max3A_152 = arith.constant 0.000000e+00 : f32
        %max3A_153 = vector.broadcast %max3A_152 : f32 to vector<512x512xf32>
        %max3A_154 = arith.maximumf %sub3A_151, %max3A_153 : vector<512x512xf32>
        %min3A_155 = vector.broadcast %get3A_25 : vector<512x1xf32> to vector<512x512xf32>
        %min3A_156 = vector.broadcast %get3A_134 : vector<1x512xf32> to vector<512x512xf32>
        %min3A_157 = arith.minimumf %min3A_155, %min3A_156 : vector<512x512xf32>
        %max3A_158 = vector.broadcast %get3A_15 : vector<512x1xf32> to vector<512x512xf32>
        %max3A_159 = vector.broadcast %get3A_124 : vector<1x512xf32> to vector<512x512xf32>
        %max3A_160 = arith.maximumf %max3A_158, %max3A_159 : vector<512x512xf32>
        %sub3A_161 = arith.subf %min3A_157, %max3A_160 : vector<512x512xf32>
        %max3A_162 = arith.constant 0.000000e+00 : f32
        %max3A_163 = vector.broadcast %max3A_162 : f32 to vector<512x512xf32>
        %max3A_164 = arith.maximumf %sub3A_161, %max3A_163 : vector<512x512xf32>
        %mul3A_165 = arith.mulf %max3A_154, %max3A_164 : vector<512x512xf32>
        %add3A_166 = vector.broadcast %get3A_30 : vector<512x1xf32> to vector<512x512xf32>
        %add3A_167 = vector.broadcast %get3A_139 : vector<1x512xf32> to vector<512x512xf32>
        %add3A_168 = arith.addf %add3A_166, %add3A_167 : vector<512x512xf32>
        %sub3A_169 = arith.subf %add3A_168, %mul3A_165 : vector<512x512xf32>
        %div3A_170 = arith.divf %mul3A_165, %sub3A_169 : vector<512x512xf32>
        %ge3A = vector.broadcast %get3A_144 : vector<1x512xf32> to vector<512x512xf32>
        %ge3A_171 = vector.broadcast %get3A_35 : vector<512x1xf32> to vector<512x512xf32>
        %ge3A_172 = arith.cmpf oge, %ge3A, %ge3A_171 : vector<512x512xf32>
        %jit3A_173 = arith.constant 0.000000e+00 : f32
        %broadcast_in_dim3A_174 = vector.broadcast %jit3A_173 : f32 to vector<512x512xf32>
        %select_n3A_175 = arith.select %ge3A_172, %div3A_170, %broadcast_in_dim3A_174 : vector<512x512xi1>, vector<512x512xf32>
        %reduce_max3A_176 = arith.constant dense<0xFF800000> : vector<512xf32>
        %reduce_max3A_177 = vector.multi_reduction <maximumf>, %select_n3A_175, %reduce_max3A_176 [1] : vector<512x512xf32> to vector<512xf32>
        %broadcast_in_dim3A_178 = vector.shape_cast %reduce_max3A_177 : vector<512xf32> to vector<512x1xf32>
        %max3A_179 = arith.maximumf %while3A_114, %broadcast_in_dim3A_178 : vector<512x1xf32>
        %jit3A_180 = arith.constant 0.000000e+00 : f32
        %broadcast_in_dim3A_181 = vector.broadcast %jit3A_180 : f32 to vector<512x512xf32>
        %select_n3A_182 = arith.select %ge3A_172, %broadcast_in_dim3A_181, %div3A_170 : vector<512x512xi1>, vector<512x512xf32>
        %reduce_max3A_183 = arith.constant dense<0xFF800000> : vector<512xf32>
        %reduce_max3A_184 = vector.multi_reduction <maximumf>, %select_n3A_182, %reduce_max3A_183 [0] : vector<512x512xf32> to vector<512xf32>
        %broadcast_in_dim3A_185 = vector.shape_cast %reduce_max3A_184 : vector<512xf32> to vector<1x512xf32>
        %mul3A_186 = arith.constant 512 : i32
        %mul3A_187 = arith.muli %while3A_113, %mul3A_186 : i32
        %get3A_188 = arith.constant 0 : index
        %get3A_189 = arith.index_cast %mul3A_187 : i32 to index
        %get3A_190 = vector.load %arg13[%get3A_188, %get3A_189] : memref<1x5120xf32, #tpu.memory_space<vmem>>, vector<1x512xf32>
        %max3A_191 = arith.maximumf %get3A_190, %broadcast_in_dim3A_185 : vector<1x512xf32>
        %swap3A_192 = arith.constant 0 : index
        %swap3A_193 = arith.index_cast %mul3A_187 : i32 to index
        %swap3A_194 = vector.load %arg13[%swap3A_192, %swap3A_193] : memref<1x5120xf32, #tpu.memory_space<vmem>>, vector<1x512xf32>
        tpu.vector_store %arg13[%swap3A_192, %swap3A_193], %max3A_191 {strides = array<i32>} : memref<1x5120xf32, #tpu.memory_space<vmem>>, vector<1x512xf32>,
        scf.yield %max3A_179 : vector<512x1xf32>
      }
      %while3A_46 = arith.constant 1 : i32
      %while3A_47 = scf.for %while3A_113 = %while3A_43 to %while3A_39 step %while3A_46 iter_args(%while3A_114 = %while3A_45) -> (vector<512x1xf32>)  : i32 {
        %mul3A_115 = arith.constant 512 : i32
        %mul3A_116 = arith.muli %while3A_113, %mul3A_115 : i32
        %get3A_117 = arith.constant 0 : index
        %get3A_118 = arith.index_cast %mul3A_116 : i32 to index
        %get3A_119 = vector.load %arg5[%get3A_117, %get3A_118] : memref<1x5120xf32, #tpu.memory_space<vmem>>, vector<1x512xf32>
        %mul3A_120 = arith.constant 512 : i32
        %mul3A_121 = arith.muli %while3A_113, %mul3A_120 : i32
        %get3A_122 = arith.constant 0 : index
        %get3A_123 = arith.index_cast %mul3A_121 : i32 to index
        %get3A_124 = vector.load %arg6[%get3A_122, %get3A_123] : memref<1x5120xf32, #tpu.memory_space<vmem>>, vector<1x512xf32>
        %mul3A_125 = arith.constant 512 : i32
        %mul3A_126 = arith.muli %while3A_113, %mul3A_125 : i32
        %get3A_127 = arith.constant 0 : index
        %get3A_128 = arith.index_cast %mul3A_126 : i32 to index
        %get3A_129 = vector.load %arg7[%get3A_127, %get3A_128] : memref<1x5120xf32, #tpu.memory_space<vmem>>, vector<1x512xf32>
        %mul3A_130 = arith.constant 512 : i32
        %mul3A_131 = arith.muli %while3A_113, %mul3A_130 : i32
        %get3A_132 = arith.constant 0 : index
        %get3A_133 = arith.index_cast %mul3A_131 : i32 to index
        %get3A_134 = vector.load %arg8[%get3A_132, %get3A_133] : memref<1x5120xf32, #tpu.memory_space<vmem>>, vector<1x512xf32>
        %mul3A_135 = arith.constant 512 : i32
        %mul3A_136 = arith.muli %while3A_113, %mul3A_135 : i32
        %get3A_137 = arith.constant 0 : index
        %get3A_138 = arith.index_cast %mul3A_136 : i32 to index
        %get3A_139 = vector.load %arg9[%get3A_137, %get3A_138] : memref<1x5120xf32, #tpu.memory_space<vmem>>, vector<1x512xf32>
        %mul3A_140 = arith.constant 512 : i32
        %mul3A_141 = arith.muli %while3A_113, %mul3A_140 : i32
        %get3A_142 = arith.constant 0 : index
        %get3A_143 = arith.index_cast %mul3A_141 : i32 to index
        %get3A_144 = vector.load %arg11[%get3A_142, %get3A_143] : memref<1x5120xf32, #tpu.memory_space<vmem>>, vector<1x512xf32>
        %min3A_145 = vector.broadcast %get3A_20 : vector<512x1xf32> to vector<512x512xf32>
        %min3A_146 = vector.broadcast %get3A_129 : vector<1x512xf32> to vector<512x512xf32>
        %min3A_147 = arith.minimumf %min3A_145, %min3A_146 : vector<512x512xf32>
        %max3A_148 = vector.broadcast %get3A_10 : vector<512x1xf32> to vector<512x512xf32>
        %max3A_149 = vector.broadcast %get3A_119 : vector<1x512xf32> to vector<512x512xf32>
        %max3A_150 = arith.maximumf %max3A_148, %max3A_149 : vector<512x512xf32>
        %sub3A_151 = arith.subf %min3A_147, %max3A_150 : vector<512x512xf32>
        %max3A_152 = arith.constant 0.000000e+00 : f32
        %max3A_153 = vector.broadcast %max3A_152 : f32 to vector<512x512xf32>
        %max3A_154 = arith.maximumf %sub3A_151, %max3A_153 : vector<512x512xf32>
        %min3A_155 = vector.broadcast %get3A_25 : vector<512x1xf32> to vector<512x512xf32>
        %min3A_156 = vector.broadcast %get3A_134 : vector<1x512xf32> to vector<512x512xf32>
        %min3A_157 = arith.minimumf %min3A_155, %min3A_156 : vector<512x512xf32>
        %max3A_158 = vector.broadcast %get3A_15 : vector<512x1xf32> to vector<512x512xf32>
        %max3A_159 = vector.broadcast %get3A_124 : vector<1x512xf32> to vector<512x512xf32>
        %max3A_160 = arith.maximumf %max3A_158, %max3A_159 : vector<512x512xf32>
        %sub3A_161 = arith.subf %min3A_157, %max3A_160 : vector<512x512xf32>
        %max3A_162 = arith.constant 0.000000e+00 : f32
        %max3A_163 = vector.broadcast %max3A_162 : f32 to vector<512x512xf32>
        %max3A_164 = arith.maximumf %sub3A_161, %max3A_163 : vector<512x512xf32>
        %mul3A_165 = arith.mulf %max3A_154, %max3A_164 : vector<512x512xf32>
        %add3A_166 = vector.broadcast %get3A_30 : vector<512x1xf32> to vector<512x512xf32>
        %add3A_167 = vector.broadcast %get3A_139 : vector<1x512xf32> to vector<512x512xf32>
        %add3A_168 = arith.addf %add3A_166, %add3A_167 : vector<512x512xf32>
        %sub3A_169 = arith.subf %add3A_168, %mul3A_165 : vector<512x512xf32>
        %div3A_170 = arith.divf %mul3A_165, %sub3A_169 : vector<512x512xf32>
        %ge3A = vector.broadcast %get3A_144 : vector<1x512xf32> to vector<512x512xf32>
        %ge3A_171 = vector.broadcast %get3A_35 : vector<512x1xf32> to vector<512x512xf32>
        %ge3A_172 = arith.cmpf oge, %ge3A, %ge3A_171 : vector<512x512xf32>
        %jit3A_173 = arith.constant 0.000000e+00 : f32
        %broadcast_in_dim3A_174 = vector.broadcast %jit3A_173 : f32 to vector<512x512xf32>
        %select_n3A_175 = arith.select %ge3A_172, %div3A_170, %broadcast_in_dim3A_174 : vector<512x512xi1>, vector<512x512xf32>
        %reduce_max3A_176 = arith.constant dense<0xFF800000> : vector<512xf32>
        %reduce_max3A_177 = vector.multi_reduction <maximumf>, %select_n3A_175, %reduce_max3A_176 [1] : vector<512x512xf32> to vector<512xf32>
        %broadcast_in_dim3A_178 = vector.shape_cast %reduce_max3A_177 : vector<512xf32> to vector<512x1xf32>
        %max3A_179 = arith.maximumf %while3A_114, %broadcast_in_dim3A_178 : vector<512x1xf32>
        %jit3A_180 = arith.constant 0.000000e+00 : f32
        %broadcast_in_dim3A_181 = vector.broadcast %jit3A_180 : f32 to vector<512x512xf32>
        %select_n3A_182 = arith.select %ge3A_172, %broadcast_in_dim3A_181, %div3A_170 : vector<512x512xi1>, vector<512x512xf32>
        %reduce_max3A_183 = arith.constant dense<0xFF800000> : vector<512xf32>
        %reduce_max3A_184 = vector.multi_reduction <maximumf>, %select_n3A_182, %reduce_max3A_183 [0] : vector<512x512xf32> to vector<512xf32>
        %broadcast_in_dim3A_185 = vector.shape_cast %reduce_max3A_184 : vector<512xf32> to vector<1x512xf32>
        %mul3A_186 = arith.constant 512 : i32
        %mul3A_187 = arith.muli %while3A_113, %mul3A_186 : i32
        %get3A_188 = arith.constant 0 : index
        %get3A_189 = arith.index_cast %mul3A_187 : i32 to index
        %get3A_190 = vector.load %arg13[%get3A_188, %get3A_189] : memref<1x5120xf32, #tpu.memory_space<vmem>>, vector<1x512xf32>
        %max3A_191 = arith.maximumf %get3A_190, %broadcast_in_dim3A_185 : vector<1x512xf32>
        %swap3A_192 = arith.constant 0 : index
        %swap3A_193 = arith.index_cast %mul3A_187 : i32 to index
        %swap3A_194 = vector.load %arg13[%swap3A_192, %swap3A_193] : memref<1x5120xf32, #tpu.memory_space<vmem>>, vector<1x512xf32>
        tpu.vector_store %arg13[%swap3A_192, %swap3A_193], %max3A_191 {strides = array<i32>} : memref<1x5120xf32, #tpu.memory_space<vmem>>, vector<1x512xf32>,
        scf.yield %max3A_179 : vector<512x1xf32>
      }
      %mul3A_48 = arith.constant 512 : i32
      %mul3A_49 = arith.muli %scan3A_7, %mul3A_48 : i32
      %get3A_50 = arith.constant 0 : index
      %get3A_51 = arith.index_cast %mul3A_49 : i32 to index
      %get3A_52 = vector.load %arg5[%get3A_50, %get3A_51] : memref<1x5120xf32, #tpu.memory_space<vmem>>, vector<1x512xf32>
      %mul3A_53 = arith.constant 512 : i32
      %mul3A_54 = arith.muli %scan3A_7, %mul3A_53 : i32
      %get3A_55 = arith.constant 0 : index
      %get3A_56 = arith.index_cast %mul3A_54 : i32 to index
      %get3A_57 = vector.load %arg6[%get3A_55, %get3A_56] : memref<1x5120xf32, #tpu.memory_space<vmem>>, vector<1x512xf32>
      %mul3A_58 = arith.constant 512 : i32
      %mul3A_59 = arith.muli %scan3A_7, %mul3A_58 : i32
      %get3A_60 = arith.constant 0 : index
      %get3A_61 = arith.index_cast %mul3A_59 : i32 to index
      %get3A_62 = vector.load %arg7[%get3A_60, %get3A_61] : memref<1x5120xf32, #tpu.memory_space<vmem>>, vector<1x512xf32>
      %mul3A_63 = arith.constant 512 : i32
      %mul3A_64 = arith.muli %scan3A_7, %mul3A_63 : i32
      %get3A_65 = arith.constant 0 : index
      %get3A_66 = arith.index_cast %mul3A_64 : i32 to index
      %get3A_67 = vector.load %arg8[%get3A_65, %get3A_66] : memref<1x5120xf32, #tpu.memory_space<vmem>>, vector<1x512xf32>
      %mul3A_68 = arith.constant 512 : i32
      %mul3A_69 = arith.muli %scan3A_7, %mul3A_68 : i32
      %get3A_70 = arith.constant 0 : index
      %get3A_71 = arith.index_cast %mul3A_69 : i32 to index
      %get3A_72 = vector.load %arg9[%get3A_70, %get3A_71] : memref<1x5120xf32, #tpu.memory_space<vmem>>, vector<1x512xf32>
      %mul3A_73 = arith.constant 512 : i32
      %mul3A_74 = arith.muli %scan3A_7, %mul3A_73 : i32
      %get3A_75 = arith.constant 0 : index
      %get3A_76 = arith.index_cast %mul3A_74 : i32 to index
      %get3A_77 = vector.load %arg11[%get3A_75, %get3A_76] : memref<1x5120xf32, #tpu.memory_space<vmem>>, vector<1x512xf32>
      %min3A = vector.broadcast %get3A_20 : vector<512x1xf32> to vector<512x512xf32>
      %min3A_78 = vector.broadcast %get3A_62 : vector<1x512xf32> to vector<512x512xf32>
      %min3A_79 = arith.minimumf %min3A, %min3A_78 : vector<512x512xf32>
      %max3A = vector.broadcast %get3A_10 : vector<512x1xf32> to vector<512x512xf32>
      %max3A_80 = vector.broadcast %get3A_52 : vector<1x512xf32> to vector<512x512xf32>
      %max3A_81 = arith.maximumf %max3A, %max3A_80 : vector<512x512xf32>
      %sub3A = arith.subf %min3A_79, %max3A_81 : vector<512x512xf32>
      %max3A_82 = arith.constant 0.000000e+00 : f32
      %max3A_83 = vector.broadcast %max3A_82 : f32 to vector<512x512xf32>
      %max3A_84 = arith.maximumf %sub3A, %max3A_83 : vector<512x512xf32>
      %min3A_85 = vector.broadcast %get3A_25 : vector<512x1xf32> to vector<512x512xf32>
      %min3A_86 = vector.broadcast %get3A_67 : vector<1x512xf32> to vector<512x512xf32>
      %min3A_87 = arith.minimumf %min3A_85, %min3A_86 : vector<512x512xf32>
      %max3A_88 = vector.broadcast %get3A_15 : vector<512x1xf32> to vector<512x512xf32>
      %max3A_89 = vector.broadcast %get3A_57 : vector<1x512xf32> to vector<512x512xf32>
      %max3A_90 = arith.maximumf %max3A_88, %max3A_89 : vector<512x512xf32>
      %sub3A_91 = arith.subf %min3A_87, %max3A_90 : vector<512x512xf32>
      %max3A_92 = arith.constant 0.000000e+00 : f32
      %max3A_93 = vector.broadcast %max3A_92 : f32 to vector<512x512xf32>
      %max3A_94 = arith.maximumf %sub3A_91, %max3A_93 : vector<512x512xf32>
      %mul3A_95 = arith.mulf %max3A_84, %max3A_94 : vector<512x512xf32>
      %add3A = vector.broadcast %get3A_30 : vector<512x1xf32> to vector<512x512xf32>
      %add3A_96 = vector.broadcast %get3A_72 : vector<1x512xf32> to vector<512x512xf32>
      %add3A_97 = arith.addf %add3A, %add3A_96 : vector<512x512xf32>
      %sub3A_98 = arith.subf %add3A_97, %mul3A_95 : vector<512x512xf32>
      %div3A = arith.divf %mul3A_95, %sub3A_98 : vector<512x512xf32>
      %iota3A = tpu.iota {dimensions = array<i32: 0>} : vector<512x512xi32>
      %iota3A_99 = tpu.iota {dimensions = array<i32: 1>} : vector<512x512xi32>
      %gt3A = vector.broadcast %get3A_77 : vector<1x512xf32> to vector<512x512xf32>
      %gt3A_100 = vector.broadcast %get3A_35 : vector<512x1xf32> to vector<512x512xf32>
      %gt3A_101 = arith.cmpf ogt, %gt3A, %gt3A_100 : vector<512x512xf32>
      %eq3A = vector.broadcast %get3A_77 : vector<1x512xf32> to vector<512x512xf32>
      %eq3A_102 = vector.broadcast %get3A_35 : vector<512x1xf32> to vector<512x512xf32>
      %eq3A_103 = arith.cmpf oeq, %eq3A, %eq3A_102 : vector<512x512xf32>
      %lt3A = arith.cmpi slt, %iota3A_99, %iota3A : vector<512x512xi32>
      %and3A = arith.andi %eq3A_103, %lt3A : vector<512x512xi1>
      %or3A = arith.ori %gt3A_101, %and3A : vector<512x512xi1>
      %jit3A = arith.constant 0.000000e+00 : f32
      %broadcast_in_dim3A_104 = vector.broadcast %jit3A : f32 to vector<512x512xf32>
      %select_n3A = arith.select %or3A, %div3A, %broadcast_in_dim3A_104 : vector<512x512xi1>, vector<512x512xf32>
      %reduce_max3A = arith.constant dense<0xFF800000> : vector<512xf32>
      %reduce_max3A_105 = vector.multi_reduction <maximumf>, %select_n3A, %reduce_max3A [1] : vector<512x512xf32> to vector<512xf32>
      %broadcast_in_dim3A_106 = vector.shape_cast %reduce_max3A_105 : vector<512xf32> to vector<512x1xf32>
      %max3A_107 = arith.maximumf %while3A_47, %broadcast_in_dim3A_106 : vector<512x1xf32>
      %mul3A_108 = arith.constant 512 : i32
      %mul3A_109 = arith.muli %scan3A_7, %mul3A_108 : i32
      %swap3A_110 = arith.index_cast %mul3A_109 : i32 to index
      %swap3A_111 = arith.constant 0 : index
      %swap3A_112 = vector.load %arg12[%swap3A_110, %swap3A_111] : memref<5120x1xf32, #tpu.memory_space<vmem>>, vector<512x1xf32>
      tpu.vector_store %arg12[%swap3A_110, %swap3A_111], %max3A_107 {strides = array<i32>} : memref<5120x1xf32, #tpu.memory_space<vmem>>, vector<512x1xf32>,
    }
    %scan3A_6 = arith.constant 10 : i32
    return
  }
}

module attributes {stable_mosaic.version = 14 : i64} {
  func.func @_decay_body(%arg0: memref<5120x1xf32, #tpu.memory_space<vmem>>, %arg1: memref<5120x1xf32, #tpu.memory_space<vmem>>, %arg2: memref<5120x1xf32, #tpu.memory_space<vmem>>, %arg3: memref<5120x1xf32, #tpu.memory_space<vmem>>, %arg4: memref<5120x1xf32, #tpu.memory_space<vmem>>, %arg5: memref<1x5120xf32, #tpu.memory_space<vmem>>, %arg6: memref<1x5120xf32, #tpu.memory_space<vmem>>, %arg7: memref<1x5120xf32, #tpu.memory_space<vmem>>, %arg8: memref<1x5120xf32, #tpu.memory_space<vmem>>, %arg9: memref<1x5120xf32, #tpu.memory_space<vmem>>, %arg10: memref<5120x1xf32, #tpu.memory_space<vmem>>, %arg11: memref<1x5120xf32, #tpu.memory_space<vmem>>, %arg12: memref<5120x1xf32, #tpu.memory_space<vmem>>, %arg13: memref<1x5120xf32, #tpu.memory_space<vmem>>, %arg14: memref<5120x1xf32, #tpu.memory_space<vmem>>, %arg15: memref<1x5120xf32, #tpu.memory_space<vmem>>) attributes {dimension_semantics = [], scalar_prefetch = 0 : i64, scratch_operands = 0 : i64, tpu.core_type = #tpu.core_type<tc>} {
    %broadcast_in_dim3A = arith.constant -1.000000e+30 : f32
    %broadcast_in_dim3A_0 = vector.broadcast %broadcast_in_dim3A : f32 to vector<1x5120xf32>
    %swap3A = arith.constant 0 : index
    %swap3A_1 = arith.constant 0 : index
    %swap3A_2 = vector.load %arg15[%swap3A, %swap3A_1] : memref<1x5120xf32, #tpu.memory_space<vmem>>, vector<1x5120xf32>
    tpu.vector_store %arg15[%swap3A, %swap3A_1], %broadcast_in_dim3A_0 {strides = array<i32>} : memref<1x5120xf32, #tpu.memory_space<vmem>>, vector<1x5120xf32>,
    %scan3A = arith.constant 0 : i32
    %scan3A_3 = arith.constant 10 : i32
    %scan3A_4 = arith.addi %scan3A, %scan3A_3 : i32
    %scan3A_5 = arith.constant 1 : i32
    scf.for %scan3A_7 = %scan3A to %scan3A_4 step %scan3A_5  : i32 {
      %mul3A = arith.constant 512 : i32
      %mul3A_8 = arith.muli %scan3A_7, %mul3A : i32
      %get3A = arith.index_cast %mul3A_8 : i32 to index
      %get3A_9 = arith.constant 0 : index
      %get3A_10 = vector.load %arg0[%get3A, %get3A_9] : memref<5120x1xf32, #tpu.memory_space<vmem>>, vector<512x1xf32>
      %mul3A_11 = arith.constant 512 : i32
      %mul3A_12 = arith.muli %scan3A_7, %mul3A_11 : i32
      %get3A_13 = arith.index_cast %mul3A_12 : i32 to index
      %get3A_14 = arith.constant 0 : index
      %get3A_15 = vector.load %arg1[%get3A_13, %get3A_14] : memref<5120x1xf32, #tpu.memory_space<vmem>>, vector<512x1xf32>
      %mul3A_16 = arith.constant 512 : i32
      %mul3A_17 = arith.muli %scan3A_7, %mul3A_16 : i32
      %get3A_18 = arith.index_cast %mul3A_17 : i32 to index
      %get3A_19 = arith.constant 0 : index
      %get3A_20 = vector.load %arg2[%get3A_18, %get3A_19] : memref<5120x1xf32, #tpu.memory_space<vmem>>, vector<512x1xf32>
      %mul3A_21 = arith.constant 512 : i32
      %mul3A_22 = arith.muli %scan3A_7, %mul3A_21 : i32
      %get3A_23 = arith.index_cast %mul3A_22 : i32 to index
      %get3A_24 = arith.constant 0 : index
      %get3A_25 = vector.load %arg3[%get3A_23, %get3A_24] : memref<5120x1xf32, #tpu.memory_space<vmem>>, vector<512x1xf32>
      %mul3A_26 = arith.constant 512 : i32
      %mul3A_27 = arith.muli %scan3A_7, %mul3A_26 : i32
      %get3A_28 = arith.index_cast %mul3A_27 : i32 to index
      %get3A_29 = arith.constant 0 : index
      %get3A_30 = vector.load %arg4[%get3A_28, %get3A_29] : memref<5120x1xf32, #tpu.memory_space<vmem>>, vector<512x1xf32>
      %mul3A_31 = arith.constant 512 : i32
      %mul3A_32 = arith.muli %scan3A_7, %mul3A_31 : i32
      %get3A_33 = arith.index_cast %mul3A_32 : i32 to index
      %get3A_34 = arith.constant 0 : index
      %get3A_35 = vector.load %arg10[%get3A_33, %get3A_34] : memref<5120x1xf32, #tpu.memory_space<vmem>>, vector<512x1xf32>
      %mul3A_36 = arith.constant 512 : i32
      %mul3A_37 = arith.muli %scan3A_7, %mul3A_36 : i32
      %get3A_38 = arith.index_cast %mul3A_37 : i32 to index
      %get3A_39 = arith.constant 0 : index
      %get3A_40 = vector.load %arg12[%get3A_38, %get3A_39] : memref<5120x1xf32, #tpu.memory_space<vmem>>, vector<512x1xf32>
      %broadcast_in_dim3A_41 = arith.constant -1.000000e+30 : f32
      %broadcast_in_dim3A_42 = vector.broadcast %broadcast_in_dim3A_41 : f32 to vector<512x1xf32>
      %while3A = arith.constant 0 : i32
      %while3A_43 = arith.subi %scan3A_7, %while3A : i32
      %while3A_44 = arith.addi %while3A, %while3A_43 : i32
      %while3A_45 = arith.constant 1 : i32
      %while3A_46 = arith.divsi %while3A_43, %while3A_45 : i32
      %while3A_47 = arith.muli %while3A_46, %while3A_45 : i32
      %while3A_48 = arith.addi %while3A, %while3A_47 : i32
      %while3A_49 = arith.constant 1 : i32
      %while3A_50 = scf.for %while3A_126 = %while3A to %while3A_48 step %while3A_49 iter_args(%while3A_127 = %broadcast_in_dim3A_42) -> (vector<512x1xf32>)  : i32 {
        %mul3A_128 = arith.constant 512 : i32
        %mul3A_129 = arith.muli %while3A_126, %mul3A_128 : i32
        %get3A_130 = arith.constant 0 : index
        %get3A_131 = arith.index_cast %mul3A_129 : i32 to index
        %get3A_132 = vector.load %arg5[%get3A_130, %get3A_131] : memref<1x5120xf32, #tpu.memory_space<vmem>>, vector<1x512xf32>
        %mul3A_133 = arith.constant 512 : i32
        %mul3A_134 = arith.muli %while3A_126, %mul3A_133 : i32
        %get3A_135 = arith.constant 0 : index
        %get3A_136 = arith.index_cast %mul3A_134 : i32 to index
        %get3A_137 = vector.load %arg6[%get3A_135, %get3A_136] : memref<1x5120xf32, #tpu.memory_space<vmem>>, vector<1x512xf32>
        %mul3A_138 = arith.constant 512 : i32
        %mul3A_139 = arith.muli %while3A_126, %mul3A_138 : i32
        %get3A_140 = arith.constant 0 : index
        %get3A_141 = arith.index_cast %mul3A_139 : i32 to index
        %get3A_142 = vector.load %arg7[%get3A_140, %get3A_141] : memref<1x5120xf32, #tpu.memory_space<vmem>>, vector<1x512xf32>
        %mul3A_143 = arith.constant 512 : i32
        %mul3A_144 = arith.muli %while3A_126, %mul3A_143 : i32
        %get3A_145 = arith.constant 0 : index
        %get3A_146 = arith.index_cast %mul3A_144 : i32 to index
        %get3A_147 = vector.load %arg8[%get3A_145, %get3A_146] : memref<1x5120xf32, #tpu.memory_space<vmem>>, vector<1x512xf32>
        %mul3A_148 = arith.constant 512 : i32
        %mul3A_149 = arith.muli %while3A_126, %mul3A_148 : i32
        %get3A_150 = arith.constant 0 : index
        %get3A_151 = arith.index_cast %mul3A_149 : i32 to index
        %get3A_152 = vector.load %arg9[%get3A_150, %get3A_151] : memref<1x5120xf32, #tpu.memory_space<vmem>>, vector<1x512xf32>
        %mul3A_153 = arith.constant 512 : i32
        %mul3A_154 = arith.muli %while3A_126, %mul3A_153 : i32
        %get3A_155 = arith.constant 0 : index
        %get3A_156 = arith.index_cast %mul3A_154 : i32 to index
        %get3A_157 = vector.load %arg11[%get3A_155, %get3A_156] : memref<1x5120xf32, #tpu.memory_space<vmem>>, vector<1x512xf32>
        %mul3A_158 = arith.constant 512 : i32
        %mul3A_159 = arith.muli %while3A_126, %mul3A_158 : i32
        %get3A_160 = arith.constant 0 : index
        %get3A_161 = arith.index_cast %mul3A_159 : i32 to index
        %get3A_162 = vector.load %arg13[%get3A_160, %get3A_161] : memref<1x5120xf32, #tpu.memory_space<vmem>>, vector<1x512xf32>
        %min3A_163 = vector.broadcast %get3A_20 : vector<512x1xf32> to vector<512x512xf32>
        %min3A_164 = vector.broadcast %get3A_142 : vector<1x512xf32> to vector<512x512xf32>
        %min3A_165 = arith.minimumf %min3A_163, %min3A_164 : vector<512x512xf32>
        %max3A_166 = vector.broadcast %get3A_10 : vector<512x1xf32> to vector<512x512xf32>
        %max3A_167 = vector.broadcast %get3A_132 : vector<1x512xf32> to vector<512x512xf32>
        %max3A_168 = arith.maximumf %max3A_166, %max3A_167 : vector<512x512xf32>
        %sub3A_169 = arith.subf %min3A_165, %max3A_168 : vector<512x512xf32>
        %max3A_170 = arith.constant 0.000000e+00 : f32
        %max3A_171 = vector.broadcast %max3A_170 : f32 to vector<512x512xf32>
        %max3A_172 = arith.maximumf %sub3A_169, %max3A_171 : vector<512x512xf32>
        %min3A_173 = vector.broadcast %get3A_25 : vector<512x1xf32> to vector<512x512xf32>
        %min3A_174 = vector.broadcast %get3A_147 : vector<1x512xf32> to vector<512x512xf32>
        %min3A_175 = arith.minimumf %min3A_173, %min3A_174 : vector<512x512xf32>
        %max3A_176 = vector.broadcast %get3A_15 : vector<512x1xf32> to vector<512x512xf32>
        %max3A_177 = vector.broadcast %get3A_137 : vector<1x512xf32> to vector<512x512xf32>
        %max3A_178 = arith.maximumf %max3A_176, %max3A_177 : vector<512x512xf32>
        %sub3A_179 = arith.subf %min3A_175, %max3A_178 : vector<512x512xf32>
        %max3A_180 = arith.constant 0.000000e+00 : f32
        %max3A_181 = vector.broadcast %max3A_180 : f32 to vector<512x512xf32>
        %max3A_182 = arith.maximumf %sub3A_179, %max3A_181 : vector<512x512xf32>
        %mul3A_183 = arith.mulf %max3A_172, %max3A_182 : vector<512x512xf32>
        %add3A_184 = vector.broadcast %get3A_30 : vector<512x1xf32> to vector<512x512xf32>
        %add3A_185 = vector.broadcast %get3A_152 : vector<1x512xf32> to vector<512x512xf32>
        %add3A_186 = arith.addf %add3A_184, %add3A_185 : vector<512x512xf32>
        %sub3A_187 = arith.subf %add3A_186, %mul3A_183 : vector<512x512xf32>
        %div3A_188 = arith.divf %mul3A_183, %sub3A_187 : vector<512x512xf32>
        %mul3A_189 = arith.mulf %div3A_188, %div3A_188 : vector<512x512xf32>
        %ge3A = vector.broadcast %get3A_157 : vector<1x512xf32> to vector<512x512xf32>
        %ge3A_190 = vector.broadcast %get3A_35 : vector<512x1xf32> to vector<512x512xf32>
        %ge3A_191 = arith.cmpf oge, %ge3A, %ge3A_190 : vector<512x512xf32>
        %sub3A_192 = vector.broadcast %get3A_162 : vector<1x512xf32> to vector<512x512xf32>
        %sub3A_193 = arith.subf %mul3A_189, %sub3A_192 : vector<512x512xf32>
        %jit3A_194 = arith.constant -1.000000e+30 : f32
        %broadcast_in_dim3A_195 = vector.broadcast %jit3A_194 : f32 to vector<512x512xf32>
        %select_n3A_196 = arith.select %ge3A_191, %sub3A_193, %broadcast_in_dim3A_195 : vector<512x512xi1>, vector<512x512xf32>
        %reduce_max3A_197 = arith.constant dense<0xFF800000> : vector<512xf32>
        %reduce_max3A_198 = vector.multi_reduction <maximumf>, %select_n3A_196, %reduce_max3A_197 [1] : vector<512x512xf32> to vector<512xf32>
        %broadcast_in_dim3A_199 = vector.shape_cast %reduce_max3A_198 : vector<512xf32> to vector<512x1xf32>
        %max3A_200 = arith.maximumf %while3A_127, %broadcast_in_dim3A_199 : vector<512x1xf32>
        %sub3A_201 = vector.broadcast %get3A_40 : vector<512x1xf32> to vector<512x512xf32>
        %sub3A_202 = arith.subf %mul3A_189, %sub3A_201 : vector<512x512xf32>
        %jit3A_203 = arith.constant -1.000000e+30 : f32
        %broadcast_in_dim3A_204 = vector.broadcast %jit3A_203 : f32 to vector<512x512xf32>
        %select_n3A_205 = arith.select %ge3A_191, %broadcast_in_dim3A_204, %sub3A_202 : vector<512x512xi1>, vector<512x512xf32>
        %reduce_max3A_206 = arith.constant dense<0xFF800000> : vector<512xf32>
        %reduce_max3A_207 = vector.multi_reduction <maximumf>, %select_n3A_205, %reduce_max3A_206 [0] : vector<512x512xf32> to vector<512xf32>
        %broadcast_in_dim3A_208 = vector.shape_cast %reduce_max3A_207 : vector<512xf32> to vector<1x512xf32>
        %mul3A_209 = arith.constant 512 : i32
        %mul3A_210 = arith.muli %while3A_126, %mul3A_209 : i32
        %get3A_211 = arith.constant 0 : index
        %get3A_212 = arith.index_cast %mul3A_210 : i32 to index
        %get3A_213 = vector.load %arg15[%get3A_211, %get3A_212] : memref<1x5120xf32, #tpu.memory_space<vmem>>, vector<1x512xf32>
        %max3A_214 = arith.maximumf %get3A_213, %broadcast_in_dim3A_208 : vector<1x512xf32>
        %swap3A_215 = arith.constant 0 : index
        %swap3A_216 = arith.index_cast %mul3A_210 : i32 to index
        %swap3A_217 = vector.load %arg15[%swap3A_215, %swap3A_216] : memref<1x5120xf32, #tpu.memory_space<vmem>>, vector<1x512xf32>
        tpu.vector_store %arg15[%swap3A_215, %swap3A_216], %max3A_214 {strides = array<i32>} : memref<1x5120xf32, #tpu.memory_space<vmem>>, vector<1x512xf32>,
        scf.yield %max3A_200 : vector<512x1xf32>
      }
      %while3A_51 = arith.constant 1 : i32
      %while3A_52 = scf.for %while3A_126 = %while3A_48 to %while3A_44 step %while3A_51 iter_args(%while3A_127 = %while3A_50) -> (vector<512x1xf32>)  : i32 {
        %mul3A_128 = arith.constant 512 : i32
        %mul3A_129 = arith.muli %while3A_126, %mul3A_128 : i32
        %get3A_130 = arith.constant 0 : index
        %get3A_131 = arith.index_cast %mul3A_129 : i32 to index
        %get3A_132 = vector.load %arg5[%get3A_130, %get3A_131] : memref<1x5120xf32, #tpu.memory_space<vmem>>, vector<1x512xf32>
        %mul3A_133 = arith.constant 512 : i32
        %mul3A_134 = arith.muli %while3A_126, %mul3A_133 : i32
        %get3A_135 = arith.constant 0 : index
        %get3A_136 = arith.index_cast %mul3A_134 : i32 to index
        %get3A_137 = vector.load %arg6[%get3A_135, %get3A_136] : memref<1x5120xf32, #tpu.memory_space<vmem>>, vector<1x512xf32>
        %mul3A_138 = arith.constant 512 : i32
        %mul3A_139 = arith.muli %while3A_126, %mul3A_138 : i32
        %get3A_140 = arith.constant 0 : index
        %get3A_141 = arith.index_cast %mul3A_139 : i32 to index
        %get3A_142 = vector.load %arg7[%get3A_140, %get3A_141] : memref<1x5120xf32, #tpu.memory_space<vmem>>, vector<1x512xf32>
        %mul3A_143 = arith.constant 512 : i32
        %mul3A_144 = arith.muli %while3A_126, %mul3A_143 : i32
        %get3A_145 = arith.constant 0 : index
        %get3A_146 = arith.index_cast %mul3A_144 : i32 to index
        %get3A_147 = vector.load %arg8[%get3A_145, %get3A_146] : memref<1x5120xf32, #tpu.memory_space<vmem>>, vector<1x512xf32>
        %mul3A_148 = arith.constant 512 : i32
        %mul3A_149 = arith.muli %while3A_126, %mul3A_148 : i32
        %get3A_150 = arith.constant 0 : index
        %get3A_151 = arith.index_cast %mul3A_149 : i32 to index
        %get3A_152 = vector.load %arg9[%get3A_150, %get3A_151] : memref<1x5120xf32, #tpu.memory_space<vmem>>, vector<1x512xf32>
        %mul3A_153 = arith.constant 512 : i32
        %mul3A_154 = arith.muli %while3A_126, %mul3A_153 : i32
        %get3A_155 = arith.constant 0 : index
        %get3A_156 = arith.index_cast %mul3A_154 : i32 to index
        %get3A_157 = vector.load %arg11[%get3A_155, %get3A_156] : memref<1x5120xf32, #tpu.memory_space<vmem>>, vector<1x512xf32>
        %mul3A_158 = arith.constant 512 : i32
        %mul3A_159 = arith.muli %while3A_126, %mul3A_158 : i32
        %get3A_160 = arith.constant 0 : index
        %get3A_161 = arith.index_cast %mul3A_159 : i32 to index
        %get3A_162 = vector.load %arg13[%get3A_160, %get3A_161] : memref<1x5120xf32, #tpu.memory_space<vmem>>, vector<1x512xf32>
        %min3A_163 = vector.broadcast %get3A_20 : vector<512x1xf32> to vector<512x512xf32>
        %min3A_164 = vector.broadcast %get3A_142 : vector<1x512xf32> to vector<512x512xf32>
        %min3A_165 = arith.minimumf %min3A_163, %min3A_164 : vector<512x512xf32>
        %max3A_166 = vector.broadcast %get3A_10 : vector<512x1xf32> to vector<512x512xf32>
        %max3A_167 = vector.broadcast %get3A_132 : vector<1x512xf32> to vector<512x512xf32>
        %max3A_168 = arith.maximumf %max3A_166, %max3A_167 : vector<512x512xf32>
        %sub3A_169 = arith.subf %min3A_165, %max3A_168 : vector<512x512xf32>
        %max3A_170 = arith.constant 0.000000e+00 : f32
        %max3A_171 = vector.broadcast %max3A_170 : f32 to vector<512x512xf32>
        %max3A_172 = arith.maximumf %sub3A_169, %max3A_171 : vector<512x512xf32>
        %min3A_173 = vector.broadcast %get3A_25 : vector<512x1xf32> to vector<512x512xf32>
        %min3A_174 = vector.broadcast %get3A_147 : vector<1x512xf32> to vector<512x512xf32>
        %min3A_175 = arith.minimumf %min3A_173, %min3A_174 : vector<512x512xf32>
        %max3A_176 = vector.broadcast %get3A_15 : vector<512x1xf32> to vector<512x512xf32>
        %max3A_177 = vector.broadcast %get3A_137 : vector<1x512xf32> to vector<512x512xf32>
        %max3A_178 = arith.maximumf %max3A_176, %max3A_177 : vector<512x512xf32>
        %sub3A_179 = arith.subf %min3A_175, %max3A_178 : vector<512x512xf32>
        %max3A_180 = arith.constant 0.000000e+00 : f32
        %max3A_181 = vector.broadcast %max3A_180 : f32 to vector<512x512xf32>
        %max3A_182 = arith.maximumf %sub3A_179, %max3A_181 : vector<512x512xf32>
        %mul3A_183 = arith.mulf %max3A_172, %max3A_182 : vector<512x512xf32>
        %add3A_184 = vector.broadcast %get3A_30 : vector<512x1xf32> to vector<512x512xf32>
        %add3A_185 = vector.broadcast %get3A_152 : vector<1x512xf32> to vector<512x512xf32>
        %add3A_186 = arith.addf %add3A_184, %add3A_185 : vector<512x512xf32>
        %sub3A_187 = arith.subf %add3A_186, %mul3A_183 : vector<512x512xf32>
        %div3A_188 = arith.divf %mul3A_183, %sub3A_187 : vector<512x512xf32>
        %mul3A_189 = arith.mulf %div3A_188, %div3A_188 : vector<512x512xf32>
        %ge3A = vector.broadcast %get3A_157 : vector<1x512xf32> to vector<512x512xf32>
        %ge3A_190 = vector.broadcast %get3A_35 : vector<512x1xf32> to vector<512x512xf32>
        %ge3A_191 = arith.cmpf oge, %ge3A, %ge3A_190 : vector<512x512xf32>
        %sub3A_192 = vector.broadcast %get3A_162 : vector<1x512xf32> to vector<512x512xf32>
        %sub3A_193 = arith.subf %mul3A_189, %sub3A_192 : vector<512x512xf32>
        %jit3A_194 = arith.constant -1.000000e+30 : f32
        %broadcast_in_dim3A_195 = vector.broadcast %jit3A_194 : f32 to vector<512x512xf32>
        %select_n3A_196 = arith.select %ge3A_191, %sub3A_193, %broadcast_in_dim3A_195 : vector<512x512xi1>, vector<512x512xf32>
        %reduce_max3A_197 = arith.constant dense<0xFF800000> : vector<512xf32>
        %reduce_max3A_198 = vector.multi_reduction <maximumf>, %select_n3A_196, %reduce_max3A_197 [1] : vector<512x512xf32> to vector<512xf32>
        %broadcast_in_dim3A_199 = vector.shape_cast %reduce_max3A_198 : vector<512xf32> to vector<512x1xf32>
        %max3A_200 = arith.maximumf %while3A_127, %broadcast_in_dim3A_199 : vector<512x1xf32>
        %sub3A_201 = vector.broadcast %get3A_40 : vector<512x1xf32> to vector<512x512xf32>
        %sub3A_202 = arith.subf %mul3A_189, %sub3A_201 : vector<512x512xf32>
        %jit3A_203 = arith.constant -1.000000e+30 : f32
        %broadcast_in_dim3A_204 = vector.broadcast %jit3A_203 : f32 to vector<512x512xf32>
        %select_n3A_205 = arith.select %ge3A_191, %broadcast_in_dim3A_204, %sub3A_202 : vector<512x512xi1>, vector<512x512xf32>
        %reduce_max3A_206 = arith.constant dense<0xFF800000> : vector<512xf32>
        %reduce_max3A_207 = vector.multi_reduction <maximumf>, %select_n3A_205, %reduce_max3A_206 [0] : vector<512x512xf32> to vector<512xf32>
        %broadcast_in_dim3A_208 = vector.shape_cast %reduce_max3A_207 : vector<512xf32> to vector<1x512xf32>
        %mul3A_209 = arith.constant 512 : i32
        %mul3A_210 = arith.muli %while3A_126, %mul3A_209 : i32
        %get3A_211 = arith.constant 0 : index
        %get3A_212 = arith.index_cast %mul3A_210 : i32 to index
        %get3A_213 = vector.load %arg15[%get3A_211, %get3A_212] : memref<1x5120xf32, #tpu.memory_space<vmem>>, vector<1x512xf32>
        %max3A_214 = arith.maximumf %get3A_213, %broadcast_in_dim3A_208 : vector<1x512xf32>
        %swap3A_215 = arith.constant 0 : index
        %swap3A_216 = arith.index_cast %mul3A_210 : i32 to index
        %swap3A_217 = vector.load %arg15[%swap3A_215, %swap3A_216] : memref<1x5120xf32, #tpu.memory_space<vmem>>, vector<1x512xf32>
        tpu.vector_store %arg15[%swap3A_215, %swap3A_216], %max3A_214 {strides = array<i32>} : memref<1x5120xf32, #tpu.memory_space<vmem>>, vector<1x512xf32>,
        scf.yield %max3A_200 : vector<512x1xf32>
      }
      %mul3A_53 = arith.constant 512 : i32
      %mul3A_54 = arith.muli %scan3A_7, %mul3A_53 : i32
      %get3A_55 = arith.constant 0 : index
      %get3A_56 = arith.index_cast %mul3A_54 : i32 to index
      %get3A_57 = vector.load %arg5[%get3A_55, %get3A_56] : memref<1x5120xf32, #tpu.memory_space<vmem>>, vector<1x512xf32>
      %mul3A_58 = arith.constant 512 : i32
      %mul3A_59 = arith.muli %scan3A_7, %mul3A_58 : i32
      %get3A_60 = arith.constant 0 : index
      %get3A_61 = arith.index_cast %mul3A_59 : i32 to index
      %get3A_62 = vector.load %arg6[%get3A_60, %get3A_61] : memref<1x5120xf32, #tpu.memory_space<vmem>>, vector<1x512xf32>
      %mul3A_63 = arith.constant 512 : i32
      %mul3A_64 = arith.muli %scan3A_7, %mul3A_63 : i32
      %get3A_65 = arith.constant 0 : index
      %get3A_66 = arith.index_cast %mul3A_64 : i32 to index
      %get3A_67 = vector.load %arg7[%get3A_65, %get3A_66] : memref<1x5120xf32, #tpu.memory_space<vmem>>, vector<1x512xf32>
      %mul3A_68 = arith.constant 512 : i32
      %mul3A_69 = arith.muli %scan3A_7, %mul3A_68 : i32
      %get3A_70 = arith.constant 0 : index
      %get3A_71 = arith.index_cast %mul3A_69 : i32 to index
      %get3A_72 = vector.load %arg8[%get3A_70, %get3A_71] : memref<1x5120xf32, #tpu.memory_space<vmem>>, vector<1x512xf32>
      %mul3A_73 = arith.constant 512 : i32
      %mul3A_74 = arith.muli %scan3A_7, %mul3A_73 : i32
      %get3A_75 = arith.constant 0 : index
      %get3A_76 = arith.index_cast %mul3A_74 : i32 to index
      %get3A_77 = vector.load %arg9[%get3A_75, %get3A_76] : memref<1x5120xf32, #tpu.memory_space<vmem>>, vector<1x512xf32>
      %mul3A_78 = arith.constant 512 : i32
      %mul3A_79 = arith.muli %scan3A_7, %mul3A_78 : i32
      %get3A_80 = arith.constant 0 : index
      %get3A_81 = arith.index_cast %mul3A_79 : i32 to index
      %get3A_82 = vector.load %arg11[%get3A_80, %get3A_81] : memref<1x5120xf32, #tpu.memory_space<vmem>>, vector<1x512xf32>
      %mul3A_83 = arith.constant 512 : i32
      %mul3A_84 = arith.muli %scan3A_7, %mul3A_83 : i32
      %get3A_85 = arith.constant 0 : index
      %get3A_86 = arith.index_cast %mul3A_84 : i32 to index
      %get3A_87 = vector.load %arg13[%get3A_85, %get3A_86] : memref<1x5120xf32, #tpu.memory_space<vmem>>, vector<1x512xf32>
      %min3A = vector.broadcast %get3A_20 : vector<512x1xf32> to vector<512x512xf32>
      %min3A_88 = vector.broadcast %get3A_67 : vector<1x512xf32> to vector<512x512xf32>
      %min3A_89 = arith.minimumf %min3A, %min3A_88 : vector<512x512xf32>
      %max3A = vector.broadcast %get3A_10 : vector<512x1xf32> to vector<512x512xf32>
      %max3A_90 = vector.broadcast %get3A_57 : vector<1x512xf32> to vector<512x512xf32>
      %max3A_91 = arith.maximumf %max3A, %max3A_90 : vector<512x512xf32>
      %sub3A = arith.subf %min3A_89, %max3A_91 : vector<512x512xf32>
      %max3A_92 = arith.constant 0.000000e+00 : f32
      %max3A_93 = vector.broadcast %max3A_92 : f32 to vector<512x512xf32>
      %max3A_94 = arith.maximumf %sub3A, %max3A_93 : vector<512x512xf32>
      %min3A_95 = vector.broadcast %get3A_25 : vector<512x1xf32> to vector<512x512xf32>
      %min3A_96 = vector.broadcast %get3A_72 : vector<1x512xf32> to vector<512x512xf32>
      %min3A_97 = arith.minimumf %min3A_95, %min3A_96 : vector<512x512xf32>
      %max3A_98 = vector.broadcast %get3A_15 : vector<512x1xf32> to vector<512x512xf32>
      %max3A_99 = vector.broadcast %get3A_62 : vector<1x512xf32> to vector<512x512xf32>
      %max3A_100 = arith.maximumf %max3A_98, %max3A_99 : vector<512x512xf32>
      %sub3A_101 = arith.subf %min3A_97, %max3A_100 : vector<512x512xf32>
      %max3A_102 = arith.constant 0.000000e+00 : f32
      %max3A_103 = vector.broadcast %max3A_102 : f32 to vector<512x512xf32>
      %max3A_104 = arith.maximumf %sub3A_101, %max3A_103 : vector<512x512xf32>
      %mul3A_105 = arith.mulf %max3A_94, %max3A_104 : vector<512x512xf32>
      %add3A = vector.broadcast %get3A_30 : vector<512x1xf32> to vector<512x512xf32>
      %add3A_106 = vector.broadcast %get3A_77 : vector<1x512xf32> to vector<512x512xf32>
      %add3A_107 = arith.addf %add3A, %add3A_106 : vector<512x512xf32>
      %sub3A_108 = arith.subf %add3A_107, %mul3A_105 : vector<512x512xf32>
      %div3A = arith.divf %mul3A_105, %sub3A_108 : vector<512x512xf32>
      %mul3A_109 = arith.mulf %div3A, %div3A : vector<512x512xf32>
      %iota3A = tpu.iota {dimensions = array<i32: 0>} : vector<512x512xi32>
      %iota3A_110 = tpu.iota {dimensions = array<i32: 1>} : vector<512x512xi32>
      %gt3A = vector.broadcast %get3A_82 : vector<1x512xf32> to vector<512x512xf32>
      %gt3A_111 = vector.broadcast %get3A_35 : vector<512x1xf32> to vector<512x512xf32>
      %gt3A_112 = arith.cmpf ogt, %gt3A, %gt3A_111 : vector<512x512xf32>
      %eq3A = vector.broadcast %get3A_82 : vector<1x512xf32> to vector<512x512xf32>
      %eq3A_113 = vector.broadcast %get3A_35 : vector<512x1xf32> to vector<512x512xf32>
      %eq3A_114 = arith.cmpf oeq, %eq3A, %eq3A_113 : vector<512x512xf32>
      %lt3A = arith.cmpi slt, %iota3A_110, %iota3A : vector<512x512xi32>
      %and3A = arith.andi %eq3A_114, %lt3A : vector<512x512xi1>
      %or3A = arith.ori %gt3A_112, %and3A : vector<512x512xi1>
      %sub3A_115 = vector.broadcast %get3A_87 : vector<1x512xf32> to vector<512x512xf32>
      %sub3A_116 = arith.subf %mul3A_109, %sub3A_115 : vector<512x512xf32>
      %jit3A = arith.constant -1.000000e+30 : f32
      %broadcast_in_dim3A_117 = vector.broadcast %jit3A : f32 to vector<512x512xf32>
      %select_n3A = arith.select %or3A, %sub3A_116, %broadcast_in_dim3A_117 : vector<512x512xi1>, vector<512x512xf32>
      %reduce_max3A = arith.constant dense<0xFF800000> : vector<512xf32>
      %reduce_max3A_118 = vector.multi_reduction <maximumf>, %select_n3A, %reduce_max3A [1] : vector<512x512xf32> to vector<512xf32>
      %broadcast_in_dim3A_119 = vector.shape_cast %reduce_max3A_118 : vector<512xf32> to vector<512x1xf32>
      %max3A_120 = arith.maximumf %while3A_52, %broadcast_in_dim3A_119 : vector<512x1xf32>
      %mul3A_121 = arith.constant 512 : i32
      %mul3A_122 = arith.muli %scan3A_7, %mul3A_121 : i32
      %swap3A_123 = arith.index_cast %mul3A_122 : i32 to index
      %swap3A_124 = arith.constant 0 : index
      %swap3A_125 = vector.load %arg14[%swap3A_123, %swap3A_124] : memref<5120x1xf32, #tpu.memory_space<vmem>>, vector<512x1xf32>
      tpu.vector_store %arg14[%swap3A_123, %swap3A_124], %max3A_120 {strides = array<i32>} : memref<5120x1xf32, #tpu.memory_space<vmem>>, vector<512x1xf32>,
    }
    %scan3A_6 = arith.constant 10 : i32
    return
  }
}

module attributes {stable_mosaic.version = 14 : i64} {
  func.func @_rescore_body(%arg0: memref<5120x1xf32, #tpu.memory_space<vmem>>, %arg1: memref<5120x1xf32, #tpu.memory_space<vmem>>, %arg2: memref<5120x1xf32, #tpu.memory_space<vmem>>, %arg3: memref<5120x1xf32, #tpu.memory_space<vmem>>) attributes {dimension_semantics = [], scalar_prefetch = 0 : i64, scratch_operands = 0 : i64, tpu.core_type = #tpu.core_type<tc>} {
    %iota3A = tpu.iota {dimensions = array<i32: 0>} : vector<5120x1xi32>
    %get3A = arith.constant 0 : index
    %get3A_0 = arith.constant 0 : index
    %get3A_1 = vector.load %arg0[%get3A, %get3A_0] : memref<5120x1xf32, #tpu.memory_space<vmem>>, vector<5120x1xf32>
    %get3A_2 = arith.constant 0 : index
    %get3A_3 = arith.constant 0 : index
    %get3A_4 = vector.load %arg1[%get3A_2, %get3A_3] : memref<5120x1xf32, #tpu.memory_space<vmem>>, vector<5120x1xf32>
    %max3A = arith.maximumf %get3A_1, %get3A_4 : vector<5120x1xf32>
    %max3A_5 = arith.constant 0.000000e+00 : f32
    %max3A_6 = vector.broadcast %max3A_5 : f32 to vector<5120x1xf32>
    %max3A_7 = arith.maximumf %max3A, %max3A_6 : vector<5120x1xf32>
    %get3A_8 = arith.constant 0 : index
    %get3A_9 = arith.constant 0 : index
    %get3A_10 = vector.load %arg2[%get3A_8, %get3A_9] : memref<5120x1xf32, #tpu.memory_space<vmem>>, vector<5120x1xf32>
    %neg3A = arith.constant 0.000000e+00 : f32
    %neg3A_11 = vector.broadcast %neg3A : f32 to vector<5120x1xf32>
    %neg3A_12 = arith.subf %neg3A_11, %max3A_7 : vector<5120x1xf32>
    %div3A = arith.constant 5.000000e-01 : f32
    %div3A_13 = vector.broadcast %div3A : f32 to vector<5120x1xf32>
    %div3A_14 = arith.divf %neg3A_12, %div3A_13 : vector<5120x1xf32>
    %exp3A = math.exp %div3A_14 : vector<5120x1xf32>
    %mul3A = arith.mulf %get3A_10, %exp3A : vector<5120x1xf32>
    %lt3A = arith.constant 5000 : i32
    %lt3A_15 = vector.broadcast %lt3A : i32 to vector<5120x1xi32>
    %lt3A_16 = arith.cmpi slt, %iota3A, %lt3A_15 : vector<5120x1xi32>
    %jit3A = arith.constant -1.000000e+30 : f32
    %broadcast_in_dim3A = vector.broadcast %jit3A : f32 to vector<5120x1xf32>
    %select_n3A = arith.select %lt3A_16, %mul3A, %broadcast_in_dim3A : vector<5120x1xi1>, vector<5120x1xf32>
    %swap3A = arith.constant 0 : index
    %swap3A_17 = arith.constant 0 : index
    %swap3A_18 = vector.load %arg3[%swap3A, %swap3A_17] : memref<5120x1xf32, #tpu.memory_space<vmem>>, vector<5120x1xf32>
    tpu.vector_store %arg3[%swap3A, %swap3A_17], %select_n3A {strides = array<i32>} : memref<5120x1xf32, #tpu.memory_space<vmem>>, vector<5120x1xf32>,
    return
  }
}

</mosaic_0001>

<sc_bundles>
// kernel: gather_offload_async_start.1
scs
__scs_entry_jumppad:
0x0: {  	(pc) =	sbr.rel $0x88, $3  }
0x1: {  	(tag) =	ssettag $0x0;
	lr =	simm.s32 $0x1  }
0x2: {  	[smem:$0x3F9F] =	sst lr;
	_ =	strace $0xD0000000  }
0x3: {  	_ = 	snop  }
0x4: {  	_ = 	snop  }
0x5: {  	_ = 	snop  }
0x6: {  	_ = 	snop  }
0x7: {  	_ = 	snop  }
__scs_overlays_trampoline_lowered:
0x8: {  	[smem:$0x3FAE] =	sst s0  }
0x9: {  	[smem:$0x3FAF] =	sst s1  }
0xa: {  	[smem:$0x3FB0] =	sst s2  }
0xb: {  	[smem:$0x3FB1] =	sst s3  }
0xc: {  	[smem:$0x3FB2] =	sst s4  }
0xd: {  	[smem:$0x3FB3] =	sst s5  }
0xe: {  	[smem:$0x3FB4] =	sst s6  }
0xf: {  	[smem:$0x3FB5] =	sst s7  }
0x10: {  	[smem:$0x3FB6] =	sst s8  }
0x11: {  	[smem:$0x3FB7] =	sst s9;
	s0 =	simm.s32 @!p0 $0x0  }
0x12: {  	s1 =	sld [smem:$0x3F9D];
	s0 =	simm.s32 @p0 $0x1  }
0x13: {  	[smem:$0x3FB8] =	sst s0;
	s0 =	simm.s32 @!p1 $0x0  }
0x14: {  	s2 =	sld [smem:$0x3F9C];
	s0 =	simm.s32 @p1 $0x1  }
0x15: {  	[smem:$0x3FB9] =	sst s0;
	s0 =	simm.s32 @!p2 $0x0  }
0x16: {  	s3 =	sld [smem:$0x3FDB];
	s0 =	simm.s32 @p2 $0x1  }
0x17: {  	s4 =	simm.s32 $0x1BF5;
	[smem:$0x3FBB] =	sst s0  }
0x18: {  	s0 =	sld [smem:$0x3F9E];
	_ =	swait.ge [sflag:s4], $0x0  }
0x19: {  	s7 =	sld [smem:$0x3F9F]  }
0x1a: {  	s8 =	sadd.s32 $0xFFFFE003, lr  }
0x1b: {  	s9 =	sadd.s32 $0xFFFFFEF7, lr;
	s5 =	simm.s32 $0xFFFFFFFF;
	p2 =	slt.u32 s8, $0xFFFFF086  }
0x1c: {  	p1 =	slt.u32 s9, $0xF7A;
	s5 =	simm.s32 @!p2 $0x0  }
0x1d: {  	s5 =	simm.s32 @p1 $0x1;
	p0 =	seq.s32 s7, s2  }
0x1e: {  	s7 =	smul.u32 @!p0 $0xF7A, s2;
	p2 =	seq.s32 @!p0 s5, $0x0  }
0x1f: {  	s9 =	smul.u32 $0xF7A, s1;
	s8 =	simm.s32 @!p0 $0x1BF5;
	p2 =	por !p2, p0  }
0x20: {  	[sflag:s8] =	ssyncset.s32 @!p0 $0xFFFFF086;
	s6 =	sadd.s32 @!p0 s3, s7;
	s7 =	simm.s32 @!p0 $0x108  }
0x21: {  	s3 =	sadd.s32 s3, s9;
	s6 =	sadd.s32 @!p0 $0x88, s6;
	s7 =	simm.s32 @p2 $0x1082  }
0x22: {  	[simem:s7], [sflag:s8] =	dma.local @!p0 [hbm:s6], $0xF7A  }
0x23: {  	s9 =	sor.u32 $0xD0000000, s2;
	s6 =	simm.s32 $0x108;
	_ =	swait.ge @!p0 [sflag:s8], $0x0  }
0x24: {  	s3 =	sadd.s32 $0x88, s3;
	s6 =	simm.s32 @!p1 $0x1082;
	[sflag:s4] =	ssyncset.s32 $0xFFFFF086  }
0x25: {  	[simem:s6], [sflag:s4] =	dma.local [hbm:s3], $0xF7A  }
0x26: {  	[smem:$0x3F9F] =	sst s1;
	(tag) =	ssettag s2;
	_ =	strace s9  }
0x27: {  	s1 =	sld [smem:$0x3FAF]  }
0x28: {  	s2 =	sld [smem:$0x3FB0]  }
0x29: {  	s4 =	sld [smem:$0x3FB2]  }
0x2a: {  	p0 =	seq.s32 s5, $0x0;
	s5 =	sld [smem:$0x3FB3]  }
0x2b: {  	s6 =	sld [smem:$0x3FB4]  }
0x2c: {  	s7 =	sld [smem:$0x3FB5]  }
0x2d: {  	s3 =	simm.s32 $0x108;
	s8 =	sld [smem:$0x3FB6]  }
0x2e: {  	s3 =	simm.s32 @!p0 $0x1082;
	s9 =	sld [smem:$0x3FB7]  }
0x2f: {  	lr =	sadd.s32 s0, s3;
	s0 =	sld [smem:$0x3FAE]  }
0x30: {  	s3 =	sld [smem:$0x3FB1]  }
0x31: {  	[smem:$0x3FBA] =	sst s10  }
0x32: {  	s10 =	sld [smem:$0x3FB8];
	_ =	sdelay $0x3  }
0x33: {  	p0 =	seq.s32 s10, $0x1;
	s10 =	sld [smem:$0x3FBA];
	_ =	sdelay $0x3  }
0x34: {  	[smem:$0x3FBA] =	sst s10  }
0x35: {  	s10 =	sld [smem:$0x3FB9];
	_ =	sdelay $0x3  }
0x36: {  	p1 =	seq.s32 s10, $0x1;
	s10 =	sld [smem:$0x3FBA];
	_ =	sdelay $0x3  }
0x37: {  	[smem:$0x3FBA] =	sst s10  }
0x38: {  	s10 =	sld [smem:$0x3FBB]  }
0x39: {  	_ = 	snop;
	(pc) =	sbr.ind lr, $3  }
0x3a: {  	_ = 	snop  }
0x3b: {  	_ = 	snop  }
0x3c: {  	p2 =	seq.s32 s10, $0x1;
	s10 =	sld [smem:$0x3FBA]  }
0x3d: {  	_ =	shalt  }
0x3e: {  	_ =	shalt  }
0x3f: {  	_ =	shalt  }
0x40: {  	_ =	shalt  }
0x41: {  	_ =	shalt  }
0x42: {  	_ =	shalt  }
0x43: {  	_ =	shalt  }
0x44: {  	_ =	shalt  }
0x45: {  	_ =	shalt  }
0x46: {  	_ =	shalt  }
0x47: {  	_ =	shalt  }
0x48: {  	_ =	shalt  }
0x49: {  	_ =	shalt  }
0x4a: {  	_ =	shalt  }
0x4b: {  	_ =	shalt  }
0x4c: {  	_ =	shalt  }
0x4d: {  	_ =	shalt  }
0x4e: {  	_ =	shalt  }
0x4f: {  	_ =	shalt  }
0x50: {  	_ =	shalt  }
0x51: {  	_ =	shalt  }
0x52: {  	_ =	shalt  }
0x53: {  	_ =	shalt  }
0x54: {  	_ =	shalt  }
0x55: {  	_ =	shalt  }
0x56: {  	_ =	shalt  }
0x57: {  	_ =	shalt  }
0x58: {  	_ =	shalt  }
0x59: {  	_ =	shalt  }
0x5a: {  	_ =	shalt  }
0x5b: {  	_ =	shalt  }
0x5c: {  	_ =	shalt  }
0x5d: {  	_ =	shalt  }
0x5e: {  	_ =	shalt  }
0x5f: {  	_ =	shalt  }
0x60: {  	_ =	shalt  }
0x61: {  	_ =	shalt  }
0x62: {  	_ =	shalt  }
0x63: {  	_ =	shalt  }
0x64: {  	_ =	shalt  }
0x65: {  	_ =	shalt  }
0x66: {  	_ =	shalt  }
0x67: {  	_ =	shalt  }
0x68: {  	_ =	shalt  }
0x69: {  	_ =	shalt  }
0x6a: {  	_ =	shalt  }
0x6b: {  	_ =	shalt  }
0x6c: {  	_ =	shalt  }
0x6d: {  	_ =	shalt  }
0x6e: {  	_ =	shalt  }
0x6f: {  	_ =	shalt  }
0x70: {  	_ =	shalt  }
0x71: {  	_ =	shalt  }
0x72: {  	_ =	shalt  }
0x73: {  	_ =	shalt  }
0x74: {  	_ =	shalt  }
0x75: {  	_ =	shalt  }
0x76: {  	_ =	shalt  }
0x77: {  	_ =	shalt  }
0x78: {  	_ =	shalt  }
0x79: {  	_ =	shalt  }
0x7a: {  	_ =	shalt  }
0x7b: {  	_ =	shalt  }
0x7c: {  	_ =	shalt  }
0x7d: {  	_ =	shalt  }
0x7e: {  	_ =	shalt  }
0x7f: {  	_ =	shalt  }
0x80: {  	_ =	shalt  }
0x81: {  	_ =	shalt  }
0x82: {  	_ =	shalt  }
0x83: {  	_ =	shalt  }
0x84: {  	_ =	shalt  }
0x85: {  	_ =	shalt  }
0x86: {  	_ =	shalt  }
0x87: {  	_ =	shalt  }
.Lfunc_end0:
.L_simem_size_0:
called_computation.1_lowered:
.L_overlay_start_0:
0x88: {  	s0 =	sld [smem:$0x3FD9]  }
0x89: {  	s1 =	sld [smem:$0x3FFE];
	_ =	sdelay $0x3  }
0x8a: {  	s0 =	sadd.s32 s1, s0  }
0x8b: {  	[smem:$0x3FC6] =	sst s0  }
0x8c: {  	_ = 	snop  }
0x8d: {  	s0 =	sld [smem:$0x3FC8];
	(tm) =	ssettm $0x1  }
0x8e: {  	s16 =	sld [smem:$0x3FFB];
	_ =	sdelay $0x3  }
0x8f: {  	_ =	strace s16  }
0x90: {  	s1 =	sld [smem:$0x3FFC];
	_ =	sdelay $0x3  }
0x91: {  	_ =	strace s1  }
0x92: {  	s1 =	sld [smem:$0x3FFD];
	_ =	sdelay $0x3  }
0x93: {  	_ =	strace s1  }
0x94: {  	_ =	strace $0x8FFFFFFF  }
0x95: {  	s17 =	sld [smem:$0x3FDB];
	_ =	sdelay $0x1  }
0x96: {  	s2 =	simm.s32 $_scs_section_size  }
0x97: {  	s3 =	simm.s32 $_size__tile_overlayer_lowered;
	s4 =	simm.s32 $_tile_overlayer_lowered  }
0x98: {  	s20 =	simm.s32 $0x1BFF;
	s19 =	sshll.u32 s4, $0x1;
	s1 =	sadd.s32 s2, s17  }
0x99: {  	s5 =	simm.s32 $0x0;
	s18 =	sshll.u32 s3, $0x1;
	s3 =	sadd.s32 s19, s1  }
0x9a: {  	[timem:s5], [sflag:s20] =	dma.local [hbm:s3], s18  }
0x9b: {  	_ =	swait.ge [sflag:s20], s18  }
0x9c: {  	s2 =	ssub.s32 $0x0, s18;
	[sflag:s20] =	ssyncset.done $0x0  }
0x9d: {  	[sflag:s20] =	ssyncadd.s32 s2;
	_ =	sdelay $0x1  }
0x9e: {  	s21 =	simm.s32 $0x1B8B  }
0x9f: {  	_ =	swait.ge [sflag:s21], $0x1  }
0xa0: {  	[sflag:s21] =	ssyncset.done $0x0  }
0xa1: {  	s23 =	simm.s32 $0x1B8E;
	s22 =	sld [smem:$0x3FFE];
	[sflag:s21] =	ssyncadd.s32 $0xFFFFFFFF  }
0xa2: {  	s24 =	simm.s32 $execute0_lowered;
	[smem:$0x3FD2] =	sst s23  }
0xa3: {  	s3 =	sshll.u32 s24, $0x1;
	_ =	strace $0x80000046;
	[dreg:$0x1] =	wrdreg $0xFFFFFFFF  }
0xa4: {  	s25 =	simm.s32 $_size_execute0_lowered;
	s1 =	sadd.s32 s1, s3;
	[dreg:$0x0] =	wrdreg $0x0  }
0xa5: {  	s3 =	sshll.u32 s25, $0x1;
	[dreg:$0x2] =	wrdreg s1  }
0xa6: {  	[dreg:$0x3] =	wrdreg s3  }
0xa7: {  	[dreg:$0x4] =	wrdreg $0xC0  }
0xa8: {  	_ =	task [dreg:s5], $0x5FFFF  }
0xa9: {  	[dreg:$0x1] =	wrdreg $0xFFFFFFFF  }
0xaa: {  	[dreg:$0x0] =	wrdreg $0x60  }
0xab: {  	[dreg:$0x2] =	wrdreg s0  }
0xac: {  	[dreg:$0x3] =	wrdreg s22  }
0xad: {  	[dreg:$0x4] =	wrdreg $0xA  }
0xae: {  	_ =	task.clear_ibuf [dreg:s5], $0x5FFFF;
	_ =	strace $0x90000046  }
0xaf: {  	s26 =	simm.s32 $0xA;
	_ =	strace $0x80000048  }
0xb0: {  	_ =	swait.ge [sflag:s26], $0x1  }
0xb1: {  	[sflag:s26] =	ssyncadd.s32 $0xFFFFFFFF  }
0xb2: {  	_ =	strace $0x90000048  }
0xb3: {  	_ =	sfence  }
0xb4: {  	s28 =	sld [smem:$0x0];
	_ =	sdelay $0x1  }
0xb5: {  	s29 =	srdreg.scid  }
0xb6: {  	s30 =	sshll.u32 s29, $0xD;
	s31 =	sshrl.u32 s29, $0x2  }
0xb7: {  	s2 =	sand.u32 $0x4000, s30;
	s1 =	sand.u32 $0x1, s29;
	s0 =	sadd.s32 s31, s28  }
0xb8: {  	s1 =	sor.u32 s2, s1;
	s0 =	sshll.u32 s0, $0x11  }
0xb9: {  	s0 =	sor.u32 s0, s1  }
0xba: {  	s0 =	sadd.s32 $0x8F2B, s0  }
0xbb: {  	[sflag:s0] =	ssyncadd.remote.s32 $0x1  }
0xbc: {  	_ =	sfence.sel $0xFFFF  }
0xbd: {  	[dreg:$0x0] =	wrdreg $0xFFFFFFFF;
	(pc) =	sbr.abs _section_cstart, $3  }
0xbe: {  	[dreg:$0x1] =	wrdreg $0xFFFFFFFF  }
0xbf: {  	_ =	task.clear_ibuf [dreg:s5], $0x2FFFF;
	_ =	strace $0x9FFFFFFF  }
0xc0: {  	(tm) =	ssettm $0x7FFFFFFF  }
0xc1: {  	_ =	shalt  }
tec
execute0_lowered:
.L_overlay_start_1:
0x0: {  	(tag) =	ssettag $0x1  }
0x1: {  	s2 =	rddreg [dreg:$0x0]  }
0x2: {  	s3 =	rddreg [dreg:$0x1]  }
0x3: {  	s0 =	rddreg [dreg:$0x2];
	s1 =	stileid.u32  }
0x4: {  	_ =	strace $0x80000047;
	s6 =	simm.s32 $0x1;
	s8 =	simm.s32 $0x2  }
0x5: {  	s30 =	simm.s32 $0x3;
	s12 =	simm.s32 $0x0;
	s4 =	sshll.u32 s1, $0x4  }
0x6: {  	s9 =	simm.s32 $0x0;
	s10 =	simm.s32 $0x0;
	s7 =	ssub.s32 $0x1380, s4  }
0x7: {  	s5 =	sadd.s32 $0x400, s3;
	[sflag:s6] =	ssyncpa.u1 $0x0;
	s6 =	sshrl.u32 s7, $0x8  }
0x8: {  	[sflag:s8] =	ssyncpa.u1 $0x0;
	s11 =	smov.u32 s4;
	s31 =	sshll.u32 s6, $0x4  }
0x9: {  	[sflag:s30] =	ssyncpa.u1 $0x0;
	s7 =	sadd.s32 $0x2, s6;
	s8 =	sadd.s32 $0x30, s31  }
.LBB2_1:
0xa: {  	p0 =	sgt.u32 s10, s6  }
0xb: {  	s13 =	sxor.u32 @!p0 $0xFFFFFFFF, s9;
	s14 =	sshrl.u32 @!p0 s11, $0x3  }
0xc: {  	s15 =	sand.u32 @!p0 $0x7, s11;
	s13 =	sand.u32 @!p0 $0x10, s13;
	s14 =	sadd.s32 @!p0 s3, s14  }
0xd: {  	[tilespmem:s13], [sflag:$0x2] =	stream.linear.gather @!p0 [hbm4b:s14+s15], $0x10, $0x38;
	[tilespmem:$0x40] =	vst v63  }
0xe: {  	p0 =	seq.s32 s9, $0x0  }
0xf: {  	p1 =	sge.u32 @!p0 s10, s7  }
0x10: {  	p0 =	por p1, p0  }
0x11: {  	s13 =	simm.s32 @!p0 $0x2  }
0x12: {  	_ =	swait.ge @!p0 [sflag:s13], $0x10  }
0x13: {  	[sflag:s13] =	ssyncset.done @!p0 $0x0  }
0x14: {  	[sflag:s13] =	ssyncadd.s32 @!p0 $0xFFFFFFF0;
	s13 =	sand.u32 @!p0 $0x10, s9  }
0x15: {  	(ifvalue) =	ssetifvalue @!p0 $0x7FFFFFFF;
	v0 =	vld.msk @!p0 [tilespmem:s13+$0x0 ss:$0x1], $0xffff;
	_ =	sdelay $0x4  }
0x16: {  	vm0 =	vgt.s32 @!p0 v0, $0x0  }
0x17: {  	v0 =	vnsel @!p0 vm0, $0x0, v0  }
0x18: {  	v0 =	vmin.u32 @!p0 v0, $0x1387;
	_ =	sdelay $0x3  }
0x19: {  	s14 =	simm.s32 @!p0 $0x0;
	s13 =	sor.u32 @!p0 $0x20, s13;
	(ifvalue) =	ssetifvalue @!p0 $0x7FFFFFFF;
	vm0 =	vmmov @!p0 $0xffff  }
0x1a: {  	[tilespmem:s13], [sflag:$0x1] =	stream.indirect_vreg.gather @!p0 [hbm4b:s2+s14], $0x1, v0, vm0, $0x4038;
	[tilespmem:$0x40] =	vst v63  }
0x1b: {  	s14 =	simm.s32 @!p0 $0x1  }
0x1c: {  	_ =	swait.ge @!p0 [sflag:s14], $0x10  }
0x1d: {  	s15 =	sshrl.u32 @!p0 s12, $0x3;
	[sflag:s14] =	ssyncset.done @!p0 $0x0  }
0x1e: {  	s12 =	sand.u32 @!p0 $0x7, s12;
	[sflag:s14] =	ssyncadd.s32 @!p0 $0xFFFFFFF0;
	s14 =	sadd.s32 @!p0 s5, s15  }
0x1f: {  	[hbm4b:s14+s12] =	stream.linear.scatter @!p0 [tilespmem:s13], [sflag:$0x3], $0x10, $0x38;
	[tilespmem:$0x40] =	vst v63  }
0x20: {  	s14 =	sadd.s32 $0x100, s11  }
0x21: {  	s9 =	sadd.s32 $0x10, s9;
	p1 =	sgt.s32 s14, $0x1387  }
0x22: {  	s14 =	smov.u32 @p1 s4;
	p1 =	sne.s32 s8, s9  }
.Ltmp0:
0x23: {  	p0 =	slt.u32 s10, $0x2;
	(pc) =	sbr.rel @p1 .LBB2_1-.Ltmp0, $4  }
0x24: {  	s13 =	simm.s32 @!p0 $0x3  }
0x25: {  	_ =	swait.ge @!p0 [sflag:s13], $0x10  }
0x26: {  	s12 =	smov.u32 s11;
	[sflag:s13] =	ssyncset.done @!p0 $0x0  }
0x27: {  	s10 =	sadd.s32 $0x1, s10;
	s11 =	smov.u32 s14;
	[sflag:s13] =	ssyncadd.s32 @!p0 $0xFFFFFFF0  }
0x28: {  	_ =	sfence.sel $0x180000  }
0x29: {  	s2 =	simm.s32 $0x2;
	[bflag:$0x0] =	sbarrier.arrive $0xFFFF  }
0x2a: {  	s30 =	simm.s32 $0x3;
	[sflag:s2] =	ssyncpa.u1 $0x1  }
0x2b: {  	s31 =	simm.s32 $0x1;
	[sflag:s30] =	ssyncpa.u1 $0x1  }
0x2c: {  	[sflag:s31] =	ssyncpa.u1 $0x1  }
0x2d: {  	p0 =	sne.s32 s1, $0x0;
	_ =	strace $0x90000047  }
0x2e: {  	s0 =	sadd.s32 @!p0 $0x100000, s0;
	[bflag:$0x2] =	sbarrier.arrive $0xFFFF  }
0x2f: {  	[sflag:s0] =	ssyncadd.tile.s32 @!p0 $0x1;
	_ =	shalt  }
.Lfunc_end2:
_tile_overlayer_lowered:
.L_overlay_start_2:
0x30: {  	(tag) =	ssettag $0x2  }
0x31: {  	s0 =	rddreg [dreg:$0x0];
	s2 =	stileid.u32  }
0x32: {  	s1 =	rddreg [dreg:$0x1];
	p0 =	sne.s32 s2, $0x0  }
0x33: {  	s3 =	rddreg [dreg:$0x2];
	[bflag:$0x3] =	sbarrier.arrive $0xFFFF;
	s2 =	simm.s32 @!p0 $0x1C01  }
0x34: {  	[timem:s3], [sflag:s2] =	dma.local @!p0 [hbm:s0], s1  }
0x35: {  	s0 =	simm.s32 @!p0 $0x1  }
0x36: {  	_ =	swait.ge @!p0 [sflag:s0], s1  }
0x37: {  	s1 =	ssub.s32 @!p0 $0x0, s1;
	[sflag:s0] =	ssyncset.done @!p0 $0x0  }
0x38: {  	[sflag:s0] =	ssyncadd.s32 @!p0 s1  }
0x39: {  	[bflag:$0x3] =	sbarrier.arrive $0xFFFF  }
0x3a: {  	_ =	shalt  }

// kernel: gather_offload_async_start
scs
__scs_entry_jumppad:
0x0: {  	(pc) =	sbr.rel $0x88, $3  }
0x1: {  	(tag) =	ssettag $0x0;
	lr =	simm.s32 $0x1  }
0x2: {  	[smem:$0x3F9F] =	sst lr;
	_ =	strace $0xD0000000  }
0x3: {  	_ = 	snop  }
0x4: {  	_ = 	snop  }
0x5: {  	_ = 	snop  }
0x6: {  	_ = 	snop  }
0x7: {  	_ = 	snop  }
__scs_overlays_trampoline_lowered:
0x8: {  	[smem:$0x3FAE] =	sst s0  }
0x9: {  	[smem:$0x3FAF] =	sst s1  }
0xa: {  	[smem:$0x3FB0] =	sst s2  }
0xb: {  	[smem:$0x3FB1] =	sst s3  }
0xc: {  	[smem:$0x3FB2] =	sst s4  }
0xd: {  	[smem:$0x3FB3] =	sst s5  }
0xe: {  	[smem:$0x3FB4] =	sst s6  }
0xf: {  	[smem:$0x3FB5] =	sst s7  }
0x10: {  	[smem:$0x3FB6] =	sst s8  }
0x11: {  	[smem:$0x3FB7] =	sst s9;
	s0 =	simm.s32 @!p0 $0x0  }
0x12: {  	s1 =	sld [smem:$0x3F9D];
	s0 =	simm.s32 @p0 $0x1  }
0x13: {  	[smem:$0x3FB8] =	sst s0;
	s0 =	simm.s32 @!p1 $0x0  }
0x14: {  	s2 =	sld [smem:$0x3F9C];
	s0 =	simm.s32 @p1 $0x1  }
0x15: {  	[smem:$0x3FB9] =	sst s0;
	s0 =	simm.s32 @!p2 $0x0  }
0x16: {  	s3 =	sld [smem:$0x3FDB];
	s0 =	simm.s32 @p2 $0x1  }
0x17: {  	s4 =	simm.s32 $0x1BF5;
	[smem:$0x3FBB] =	sst s0  }
0x18: {  	s0 =	sld [smem:$0x3F9E];
	_ =	swait.ge [sflag:s4], $0x0  }
0x19: {  	s7 =	sld [smem:$0x3F9F]  }
0x1a: {  	s8 =	sadd.s32 $0xFFFFE003, lr  }
0x1b: {  	s9 =	sadd.s32 $0xFFFFFEF7, lr;
	s5 =	simm.s32 $0xFFFFFFFF;
	p2 =	slt.u32 s8, $0xFFFFF086  }
0x1c: {  	p1 =	slt.u32 s9, $0xF7A;
	s5 =	simm.s32 @!p2 $0x0  }
0x1d: {  	s5 =	simm.s32 @p1 $0x1;
	p0 =	seq.s32 s7, s2  }
0x1e: {  	s7 =	smul.u32 @!p0 $0xF7A, s2;
	p2 =	seq.s32 @!p0 s5, $0x0  }
0x1f: {  	s9 =	smul.u32 $0xF7A, s1;
	s8 =	simm.s32 @!p0 $0x1BF5;
	p2 =	por !p2, p0  }
0x20: {  	[sflag:s8] =	ssyncset.s32 @!p0 $0xFFFFF086;
	s6 =	sadd.s32 @!p0 s3, s7;
	s7 =	simm.s32 @!p0 $0x108  }
0x21: {  	s3 =	sadd.s32 s3, s9;
	s6 =	sadd.s32 @!p0 $0x88, s6;
	s7 =	simm.s32 @p2 $0x1082  }
0x22: {  	[simem:s7], [sflag:s8] =	dma.local @!p0 [hbm:s6], $0xF7A  }
0x23: {  	s9 =	sor.u32 $0xD0000000, s2;
	s6 =	simm.s32 $0x108;
	_ =	swait.ge @!p0 [sflag:s8], $0x0  }
0x24: {  	s3 =	sadd.s32 $0x88, s3;
	s6 =	simm.s32 @!p1 $0x1082;
	[sflag:s4] =	ssyncset.s32 $0xFFFFF086  }
0x25: {  	[simem:s6], [sflag:s4] =	dma.local [hbm:s3], $0xF7A  }
0x26: {  	[smem:$0x3F9F] =	sst s1;
	(tag) =	ssettag s2;
	_ =	strace s9  }
0x27: {  	s1 =	sld [smem:$0x3FAF]  }
0x28: {  	s2 =	sld [smem:$0x3FB0]  }
0x29: {  	s4 =	sld [smem:$0x3FB2]  }
0x2a: {  	p0 =	seq.s32 s5, $0x0;
	s5 =	sld [smem:$0x3FB3]  }
0x2b: {  	s6 =	sld [smem:$0x3FB4]  }
0x2c: {  	s7 =	sld [smem:$0x3FB5]  }
0x2d: {  	s3 =	simm.s32 $0x108;
	s8 =	sld [smem:$0x3FB6]  }
0x2e: {  	s3 =	simm.s32 @!p0 $0x1082;
	s9 =	sld [smem:$0x3FB7]  }
0x2f: {  	lr =	sadd.s32 s0, s3;
	s0 =	sld [smem:$0x3FAE]  }
0x30: {  	s3 =	sld [smem:$0x3FB1]  }
0x31: {  	[smem:$0x3FBA] =	sst s10  }
0x32: {  	s10 =	sld [smem:$0x3FB8];
	_ =	sdelay $0x3  }
0x33: {  	p0 =	seq.s32 s10, $0x1;
	s10 =	sld [smem:$0x3FBA];
	_ =	sdelay $0x3  }
0x34: {  	[smem:$0x3FBA] =	sst s10  }
0x35: {  	s10 =	sld [smem:$0x3FB9];
	_ =	sdelay $0x3  }
0x36: {  	p1 =	seq.s32 s10, $0x1;
	s10 =	sld [smem:$0x3FBA];
	_ =	sdelay $0x3  }
0x37: {  	[smem:$0x3FBA] =	sst s10  }
0x38: {  	s10 =	sld [smem:$0x3FBB]  }
0x39: {  	_ = 	snop;
	(pc) =	sbr.ind lr, $3  }
0x3a: {  	_ = 	snop  }
0x3b: {  	_ = 	snop  }
0x3c: {  	p2 =	seq.s32 s10, $0x1;
	s10 =	sld [smem:$0x3FBA]  }
0x3d: {  	_ =	shalt  }
0x3e: {  	_ =	shalt  }
0x3f: {  	_ =	shalt  }
0x40: {  	_ =	shalt  }
0x41: {  	_ =	shalt  }
0x42: {  	_ =	shalt  }
0x43: {  	_ =	shalt  }
0x44: {  	_ =	shalt  }
0x45: {  	_ =	shalt  }
0x46: {  	_ =	shalt  }
0x47: {  	_ =	shalt  }
0x48: {  	_ =	shalt  }
0x49: {  	_ =	shalt  }
0x4a: {  	_ =	shalt  }
0x4b: {  	_ =	shalt  }
0x4c: {  	_ =	shalt  }
0x4d: {  	_ =	shalt  }
0x4e: {  	_ =	shalt  }
0x4f: {  	_ =	shalt  }
0x50: {  	_ =	shalt  }
0x51: {  	_ =	shalt  }
0x52: {  	_ =	shalt  }
0x53: {  	_ =	shalt  }
0x54: {  	_ =	shalt  }
0x55: {  	_ =	shalt  }
0x56: {  	_ =	shalt  }
0x57: {  	_ =	shalt  }
0x58: {  	_ =	shalt  }
0x59: {  	_ =	shalt  }
0x5a: {  	_ =	shalt  }
0x5b: {  	_ =	shalt  }
0x5c: {  	_ =	shalt  }
0x5d: {  	_ =	shalt  }
0x5e: {  	_ =	shalt  }
0x5f: {  	_ =	shalt  }
0x60: {  	_ =	shalt  }
0x61: {  	_ =	shalt  }
0x62: {  	_ =	shalt  }
0x63: {  	_ =	shalt  }
0x64: {  	_ =	shalt  }
0x65: {  	_ =	shalt  }
0x66: {  	_ =	shalt  }
0x67: {  	_ =	shalt  }
0x68: {  	_ =	shalt  }
0x69: {  	_ =	shalt  }
0x6a: {  	_ =	shalt  }
0x6b: {  	_ =	shalt  }
0x6c: {  	_ =	shalt  }
0x6d: {  	_ =	shalt  }
0x6e: {  	_ =	shalt  }
0x6f: {  	_ =	shalt  }
0x70: {  	_ =	shalt  }
0x71: {  	_ =	shalt  }
0x72: {  	_ =	shalt  }
0x73: {  	_ =	shalt  }
0x74: {  	_ =	shalt  }
0x75: {  	_ =	shalt  }
0x76: {  	_ =	shalt  }
0x77: {  	_ =	shalt  }
0x78: {  	_ =	shalt  }
0x79: {  	_ =	shalt  }
0x7a: {  	_ =	shalt  }
0x7b: {  	_ =	shalt  }
0x7c: {  	_ =	shalt  }
0x7d: {  	_ =	shalt  }
0x7e: {  	_ =	shalt  }
0x7f: {  	_ =	shalt  }
0x80: {  	_ =	shalt  }
0x81: {  	_ =	shalt  }
0x82: {  	_ =	shalt  }
0x83: {  	_ =	shalt  }
0x84: {  	_ =	shalt  }
0x85: {  	_ =	shalt  }
0x86: {  	_ =	shalt  }
0x87: {  	_ =	shalt  }
.Lfunc_end0:
.L_simem_size_0:
called_computation_lowered:
.L_overlay_start_0:
0x88: {  	s0 =	sld [smem:$0x3FD9]  }
0x89: {  	s1 =	sld [smem:$0x3FFE];
	_ =	sdelay $0x3  }
0x8a: {  	s0 =	sadd.s32 s1, s0  }
0x8b: {  	[smem:$0x3FC6] =	sst s0  }
0x8c: {  	_ = 	snop  }
0x8d: {  	(tm) =	ssettm $0x1  }
0x8e: {  	s15 =	sld [smem:$0x3FFB];
	_ =	sdelay $0x3  }
0x8f: {  	_ =	strace s15  }
0x90: {  	s0 =	sld [smem:$0x3FFC];
	_ =	sdelay $0x3  }
0x91: {  	_ =	strace s0  }
0x92: {  	s0 =	sld [smem:$0x3FFD];
	_ =	sdelay $0x3  }
0x93: {  	_ =	strace s0  }
0x94: {  	_ =	strace $0x8FFFFFFF  }
0x95: {  	s16 =	sld [smem:$0x3FDB];
	_ =	sdelay $0x1  }
0x96: {  	s17 =	simm.s32 $_scs_section_size  }
0x97: {  	s2 =	simm.s32 $_size__tile_overlayer_lowered;
	s3 =	simm.s32 $_tile_overlayer_lowered  }
0x98: {  	s20 =	simm.s32 $0x1BFF;
	s19 =	sshll.u32 s3, $0x1;
	s0 =	sadd.s32 s17, s16  }
0x99: {  	s4 =	simm.s32 $0x0;
	s18 =	sshll.u32 s2, $0x1;
	s2 =	sadd.s32 s19, s0  }
0x9a: {  	[timem:s4], [sflag:s20] =	dma.local [hbm:s2], s18  }
0x9b: {  	_ =	swait.ge [sflag:s20], s18  }
0x9c: {  	s1 =	ssub.s32 $0x0, s18;
	[sflag:s20] =	ssyncset.done $0x0  }
0x9d: {  	[sflag:s20] =	ssyncadd.s32 s1;
	_ =	sdelay $0x1  }
0x9e: {  	s21 =	simm.s32 $0x1B8B  }
0x9f: {  	_ =	swait.ge [sflag:s21], $0x1  }
0xa0: {  	[sflag:s21] =	ssyncset.done $0x0  }
0xa1: {  	s23 =	simm.s32 $0x1B8E;
	s22 =	sld [smem:$0x3FFE];
	[sflag:s21] =	ssyncadd.s32 $0xFFFFFFFF  }
0xa2: {  	s24 =	simm.s32 $execute0_lowered;
	[smem:$0x3FD2] =	sst s23  }
0xa3: {  	s2 =	sshll.u32 s24, $0x1;
	_ =	strace $0x80000049;
	[dreg:$0x1] =	wrdreg $0xFFFFFFFF  }
0xa4: {  	s25 =	simm.s32 $_size_execute0_lowered;
	s0 =	sadd.s32 s0, s2;
	[dreg:$0x0] =	wrdreg $0x0  }
0xa5: {  	s2 =	sshll.u32 s25, $0x1;
	[dreg:$0x2] =	wrdreg s0  }
0xa6: {  	[dreg:$0x3] =	wrdreg s2  }
0xa7: {  	[dreg:$0x4] =	wrdreg $0xC0  }
0xa8: {  	_ =	task [dreg:s4], $0x5FFFF  }
0xa9: {  	[dreg:$0x1] =	wrdreg $0xFFFFFFFF  }
0xaa: {  	[dreg:$0x0] =	wrdreg $0x60  }
0xab: {  	[dreg:$0x2] =	wrdreg s22  }
0xac: {  	[dreg:$0x3] =	wrdreg $0x9  }
0xad: {  	_ =	task.clear_ibuf [dreg:s4], $0x4FFFF;
	_ =	strace $0x90000049  }
0xae: {  	s26 =	simm.s32 $0x9;
	_ =	strace $0x8000004B  }
0xaf: {  	_ =	swait.ge [sflag:s26], $0x1  }
0xb0: {  	[sflag:s26] =	ssyncadd.s32 $0xFFFFFFFF  }
0xb1: {  	_ =	strace $0x9000004B  }
0xb2: {  	_ =	sfence  }
0xb3: {  	s28 =	sld [smem:$0x0];
	_ =	sdelay $0x1  }
0xb4: {  	s29 =	srdreg.scid  }
0xb5: {  	s30 =	sshll.u32 s29, $0xD;
	s31 =	sshrl.u32 s29, $0x2  }
0xb6: {  	s1 =	sand.u32 $0x1, s29;
	s2 =	sand.u32 $0x4000, s30;
	s0 =	sadd.s32 s31, s28  }
0xb7: {  	s1 =	sor.u32 s2, s1;
	s0 =	sshll.u32 s0, $0x11  }
0xb8: {  	s0 =	sor.u32 s0, s1  }
0xb9: {  	s0 =	sadd.s32 $0x8F2B, s0  }
0xba: {  	[sflag:s0] =	ssyncadd.remote.s32 $0x1  }
0xbb: {  	_ =	sfence.sel $0xFFFF  }
0xbc: {  	[dreg:$0x0] =	wrdreg $0xFFFFFFFF;
	(pc) =	sbr.abs _section_cstart, $3  }
0xbd: {  	[dreg:$0x1] =	wrdreg $0xFFFFFFFF  }
0xbe: {  	_ =	task.clear_ibuf [dreg:s4], $0x2FFFF;
	_ =	strace $0x9FFFFFFF  }
0xbf: {  	(tm) =	ssettm $0x7FFFFFFF  }
tec
execute0_lowered:
.L_overlay_start_1:
0x0: {  	(tag) =	ssettag $0x1  }
0x1: {  	s0 =	stileid.u32  }
0x2: {  	s1 =	smin.u32 s0, $0x9  }
0x3: {  	s1 =	sadd.s32 s0, s1  }
0x4: {  	s2 =	simm.s32 $0x190;
	p0 =	slt.u32 s0, $0x9;
	s1 =	smul.u32 $0xC8, s1  }
0x5: {  	s2 =	simm.s32 @!p0 $0xC8  }
0x6: {  	s2 =	sadd.s32 s2, s1  }
0x7: {  	s3 =	smin.u32 s2, $0x1388  }
0x8: {  	s7 =	ssub.s32 s3, s1  }
0x9: {  	p0 =	sgt.s32 s7, $0x0  }
0xa: {  	s7 =	simm.s32 @!p0 $0x0  }
0xb: {  	s31 =	sand.u32 $0xFFF8, s7  }
0xc: {  	s2 =	sshrl.u32 s31, $0x3  }
0xd: {  	s2 =	smul.u32 $0x147B, s2  }
0xe: {  	s4 =	rddreg [dreg:$0x0];
	s6 =	simm.s32 $0x1  }
0xf: {  	s10 =	simm.s32 $0x3;
	s13 =	simm.s32 $0x0;
	s8 =	sshrl.u32 s2, $0x11  }
0x10: {  	s12 =	simm.s32 $0x0;
	s5 =	sadd.s32 $0x800, s4;
	s9 =	smul.u32 $0xC8, s8  }
.Ltmp0:
0x11: {  	s11 =	smov.u32 s1;
	s2 =	rddreg [dreg:$0x1];
	(pc) =	sbr.rel .LBB2_1-.Ltmp0, $4  }
0x12: {  	_ =	strace $0x8000004A;
	p0 =	sne.s32 s7, s9;
	s9 =	simm.s32 $0x1  }
0x13: {  	[sflag:s6] =	ssyncpa.u1 $0x0;
	s7 =	simm.s32 $0x2;
	s9 =	simm.s32 @!p0 $0x0  }
0x14: {  	[sflag:s7] =	ssyncpa.u1 $0x0;
	p0 =	por $0x0, $0x0;
	s8 =	sadd.s32 s8, s9  }
0x15: {  	vm0 =	vmmov $0xff;
	vm1 =	vcmask $0x3F20;
	s9 =	sadd.s32 $0x14200, s4;
	[sflag:s10] =	ssyncpa.u1 $0x0;
	s10 =	sadd.s32 $0x1, s8  }
.LBB2_6:
0x16: {  	[hbm:s17] =	stream.linear.scatter [tilespmem:s14], [sflag:$0x3], $0x400, $0x38;
	[tilespmem:$0xC990] =	vst v63  }
.LBB2_7:
0x17: {  	s13 =	sadd.s32 $0xC8, s11  }
0x18: {  	s15 =	smov.u32 s1;
	p2 =	slt.s32 s13, s3  }
0x19: {  	s15 =	smov.u32 @p2 s13;
	p2 =	sne.s32 s12, s10  }
.Ltmp1:
0x1a: {  	p1 =	slt.u32 s12, $0x2;
	(pc) =	sbr.rel @!p2 .LBB2_8-.Ltmp1, $4  }
0x1b: {  	s14 =	simm.s32 @!p1 $0x3  }
0x1c: {  	s16 =	sadd.s32 $0x1, s12;
	_ =	swait.ge @!p1 [sflag:s14], $0x6400  }
0x1d: {  	p0 =	por !p0, !p0;
	s13 =	smov.u32 s11;
	[sflag:s14] =	ssyncset.done @!p1 $0x0  }
0x1e: {  	s12 =	smov.u32 s16;
	s11 =	smov.u32 s15;
	[sflag:s14] =	ssyncadd.s32 @!p1 $0xFFFF9C00  }
.LBB2_1:
0x1f: {  	p1 =	sge.u32 s12, s8  }
0x20: {  	s14 =	sxor.u32 @!p1 $0xFFFFFFFF, s12  }
0x21: {  	s14 =	sand.u32 @!p1 $0x1, s14  }
0x22: {  	s14 =	smul.u32 @!p1 $0x320, s14  }
0x23: {  	s31 =	sadd.s32 $0xFFFFFFFF, s12;
	s15 =	sshrl.u32 @!p1 s11, $0x3  }
0x24: {  	s16 =	sand.u32 @!p1 $0x7, s11;
	s15 =	sadd.s32 @!p1 s4, s15;
	s14 =	sshrl.u32 @!p1 s14, $0x2  }
0x25: {  	[tilespmem:s14], [sflag:$0x2] =	stream.linear.gather @!p1 [hbm4b:s15+s16], $0xC8, $0x38;
	[tilespmem:$0xC990] =	vst v63  }
0x26: {  	p1 =	sge.u32 s31, s8  }
.Ltmp2:
0x27: {  	_ = 	snop;
	(pc) =	sbr.rel @p1 .LBB2_7-.Ltmp2, $1  }
0x28: {  	_ =	sdelay $0x3  }
0x29: {  	s14 =	simm.s32 $0x1  }
0x2a: {  	s14 =	simm.s32 @!p0 $0x0  }
0x2b: {  	s15 =	smul.u32 $0x320, s14  }
0x2c: {  	_ =	swait.ge [sflag:s7], $0xC8  }
0x2d: {  	[sflag:s7] =	ssyncset.done $0x0;
	s16 =	sshrl.u32 s15, $0x2  }
0x2e: {  	[sflag:s7] =	ssyncadd.s32 $0xFFFFFF38;
	s15 =	sadd.s32 $0x0, s16  }
0x2f: {  	v0 =	vld.msk [tilespmem:s15+$0x0 ss:$0x1], $0xffff;
	_ =	sdelay $0x4  }
0x30: {  	vm2 =	vgt.s32 v0, $0x0  }
0x31: {  	v0 =	vnsel vm2, $0x0, v0  }
0x32: {  	v0 =	vmin.u32 v0, $0x1387  }
0x33: {  	v0 =	vshll.u32 v0, $0x4  }
0x34: {  	s14 =	smul.u32 $0x19000, s14  }
0x35: {  	s31 =	sand.u32 $0x1, s12  }
0x36: {  	s17 =	smul.u32 $0x320, s31;
	s14 =	sshrl.u32 s14, $0x2  }
0x37: {  	s19 =	smul.u32 $0x19000, s31;
	s14 =	sor.u32 $0x190, s14  }
0x38: {  	[tilespmem:s14], [sflag:$0x1] =	stream.indirect_vreg.gather [hbm:s5], $0x80, v0, vm0, $0x38;
	[tilespmem:$0xC990] =	vst v63  }
0x39: {  	s18 =	sshrl.u32 s17, $0x2;
	s20 =	sadd.s32 $0x10, s16;
	s15 =	sadd.s32 $0x400, s14  }
0x3a: {  	[tilespmem:s15], [sflag:$0x1] =	stream.indirect_vreg.gather [hbm:s5], $0x80, v0, vm1, $0x38;
	[tilespmem:$0xC990] =	vst v63  }
0x3b: {  	s17 =	sshrl.u32 s19, $0x2;
	s19 =	smov.u32 s14;
	v0 =	vld.msk [tilespmem:s20+$0x0 ss:$0x1], $0xffff;
	s20 =	simm.s32 $0x80  }
.LBB2_3:
0x3c: {  	p1 =	sne.s32 s20, $0x2C0;
	_ =	sdelay $0x4  }
0x3d: {  	vm2 =	vgt.s32 v0, $0x0  }
0x3e: {  	v0 =	vnsel vm2, $0x0, v0  }
0x3f: {  	v0 =	vmin.u32 v0, $0x1387  }
0x40: {  	v0 =	vshll.u32 v0, $0x4;
	_ =	sdelay $0x3  }
.Ltmp3:
0x41: {  	s21 =	sshra.s32 s20, $0x2;
	s19 =	sadd.s32 $0x800, s19;
	(pc) =	sbr.rel @p1 .LBB2_3-.Ltmp3, $4  }
0x42: {  	[tilespmem:s19], [sflag:$0x1] =	stream.indirect_vreg.gather [hbm:s5], $0x80, v0, vm0, $0x38;
	[tilespmem:$0xC990] =	vst v63  }
0x43: {  	s21 =	sadd.s32 s21, s16;
	s22 =	sadd.s32 $0x400, s19  }
0x44: {  	[tilespmem:s22], [sflag:$0x1] =	stream.indirect_vreg.gather [hbm:s5], $0x80, v0, vm1, $0x38;
	[tilespmem:$0xC990] =	vst v63  }
0x45: {  	s20 =	sadd.s32 $0x40, s20;
	v0 =	vld.msk [tilespmem:s21+$0x0 ss:$0x1], $0xffff  }
0x46: {  	_ =	sdelay $0x3  }
0x47: {  	vm2 =	vgt.s32 v0, $0x0  }
0x48: {  	v0 =	vnsel vm2, $0x0, v0  }
0x49: {  	v0 =	vmin.u32 v0, $0x1387  }
0x4a: {  	v0 =	vshll.u32 v0, $0x4;
	_ =	sdelay $0x3  }
0x4b: {  	s16 =	sadd.s32 $0x800, s19  }
0x4c: {  	[tilespmem:s16], [sflag:$0x1] =	stream.indirect_vreg.gather [hbm:s5], $0x80, v0, vm0, $0x38;
	[tilespmem:$0xC990] =	vst v63  }
0x4d: {  	s16 =	sadd.s32 $0x400, s16  }
0x4e: {  	[tilespmem:s16], [sflag:$0x1] =	stream.indirect_vreg.gather [hbm:s5], $0x80, v0, vm1, $0x38;
	[tilespmem:$0xC990] =	vst v63  }
0x4f: {  	v0 =	vld.msk [tilespmem:s18+$0xC0 ss:$0x1], $0xff;
	_ =	sdelay $0x4  }
0x50: {  	vm2 =	vgt.s32 v0, $0x0  }
0x51: {  	v0 =	vnsel vm2, $0x0, v0  }
0x52: {  	v0 =	vmin.u32 v0, $0x1387  }
0x53: {  	v0 =	vshll.u32 v0, $0x4;
	_ =	sdelay $0x3  }
0x54: {  	s31 =	sadd.s32 $0x6190, s17  }
0x55: {  	[tilespmem:s31], [sflag:$0x1] =	stream.indirect_vreg.gather [hbm:s5], $0x80, v0, vm0, $0x38;
	[tilespmem:$0xC990] =	vst v63  }
0x56: {  	s13 =	sshll.u32 s13, $0x4;
	_ =	swait.ge [sflag:s6], $0x6400  }
0x57: {  	s13 =	sadd.s32 s13, s9;
	[sflag:s6] =	ssyncset.done $0x0  }
0x58: {  	s17 =	sadd.s32 $0x0, s13;
	s16 =	simm.s32 $0x80;
	[sflag:s6] =	ssyncadd.s32 $0xFFFF9C00  }
.LBB2_5:
0x59: {  	[hbm:s17] =	stream.linear.scatter [tilespmem:s14], [sflag:$0x3], $0x400, $0x38;
	[tilespmem:$0xC990] =	vst v63  }
0x5a: {  	s17 =	smov.u32 s16;
	s14 =	smov.u32 s15;
	p1 =	sne.s32 s16, $0xC00  }
.Ltmp4:
0x5b: {  	s16 =	sadd.s32 $0x80, s16;
	(pc) =	sbr.rel @p1 .LBB2_5-.Ltmp4, $2  }
0x5c: {  	_ =	sdelay $0x2  }
0x5d: {  	s15 =	sadd.s32 $0x400, s15;
	s17 =	sadd.s32 s17, s13  }
.Ltmp5:
0x5e: {  	_ = 	snop;
	(pc) =	sbr.rel .LBB2_6-.Ltmp5, $1  }
0x5f: {  	_ =	sdelay $0x3  }
.LBB2_8:
0x60: {  	_ =	sfence.sel $0x180000  }
0x61: {  	s1 =	simm.s32 $0x2;
	[bflag:$0x0] =	sbarrier.arrive $0xFFFF  }
0x62: {  	s30 =	simm.s32 $0x3;
	[sflag:s1] =	ssyncpa.u1 $0x1  }
0x63: {  	s31 =	simm.s32 $0x1;
	[sflag:s30] =	ssyncpa.u1 $0x1  }
0x64: {  	[sflag:s31] =	ssyncpa.u1 $0x1  }
0x65: {  	p0 =	sne.s32 s0, $0x0;
	_ =	strace $0x9000004A  }
0x66: {  	s0 =	sadd.s32 @!p0 $0x100000, s2;
	[bflag:$0x2] =	sbarrier.arrive $0xFFFF  }
0x67: {  	[sflag:s0] =	ssyncadd.tile.s32 @!p0 $0x1;
	_ =	shalt  }
.Lfunc_end2:
_tile_overlayer_lowered:
.L_overlay_start_2:
0x68: {  	(tag) =	ssettag $0x2  }
0x69: {  	s0 =	rddreg [dreg:$0x0];
	s2 =	stileid.u32  }
0x6a: {  	s1 =	rddreg [dreg:$0x1];
	p0 =	sne.s32 s2, $0x0  }
0x6b: {  	s3 =	rddreg [dreg:$0x2];
	[bflag:$0x3] =	sbarrier.arrive $0xFFFF;
	s2 =	simm.s32 @!p0 $0x1C01  }
0x6c: {  	[timem:s3], [sflag:s2] =	dma.local @!p0 [hbm:s0], s1  }
0x6d: {  	s0 =	simm.s32 @!p0 $0x1  }
0x6e: {  	_ =	swait.ge @!p0 [sflag:s0], s1  }
0x6f: {  	s1 =	ssub.s32 @!p0 $0x0, s1;
	[sflag:s0] =	ssyncset.done @!p0 $0x0  }
0x70: {  	[sflag:s0] =	ssyncadd.s32 @!p0 s1  }
0x71: {  	[bflag:$0x3] =	sbarrier.arrive $0xFFFF  }
0x72: {  	_ =	shalt  }

</sc_bundles>
